<compile_context>
chip_gen: v7x
topology: tpu7x:2x2x1
jax: 0.10.2.dev20260603
libtpu: 0.0.44.dev20260713+nightly
codegen_flags: <defaults>
</compile_context>

<pallas_src>
import functools

import jax
import jax.numpy as jnp
from jax import lax
from jax.experimental import pallas as pl
from jax.experimental.pallas import tpu as pltpu
from jax.experimental.pallas import tpu_sc as plsc

VOCAB = 100000
HIDDEN = 1024
BATCH = 4
SEQ = 4096

_B = BATCH * SEQ
_CHUNK = 32
_NB = 3


def _make_gather(V, D, B, CHUNK, NB):
    info = plsc.get_sparse_core_info()
    NC, NS = info.num_cores, info.num_subcores
    NW = NC * NS
    assert B % NW == 0
    b_per_w = B // NW
    n_steps = b_per_w // CHUNK
    n_blocks = n_steps // NB
    assert b_per_w % CHUNK == 0 and NB >= 2
    w_per_row = SEQ // b_per_w
    assert SEQ % b_per_w == 0
    mesh = plsc.VectorSubcoreMesh(core_axis_name="c", subcore_axis_name="s")

    @functools.partial(
        pl.kernel,
        mesh=mesh,
        out_type=jax.ShapeDtypeStruct((BATCH, SEQ, D), jnp.float32),
        scratch_types=[
            pltpu.VMEM((b_per_w,), jnp.int32),
            [pltpu.VMEM((CHUNK, D), jnp.float32) for _ in range(NB)],
            [pltpu.SemaphoreType.DMA for _ in range(NB)],
            [pltpu.SemaphoreType.DMA for _ in range(NB)],
        ],
    )
    def gather_kernel(ids_hbm, table_hbm, out_hbm, idx_v, bufs, gsems, ssems):
        wid = lax.axis_index("s") * NC + lax.axis_index("c")
        row = wid // w_per_row
        col = (wid % w_per_row) * b_per_w
        pltpu.sync_copy(ids_hbm.at[row, pl.ds(col, b_per_w)], idx_v)

        def gather_to(g, p):
            pltpu.async_copy(
                table_hbm.at[idx_v.at[pl.ds(g * CHUNK, CHUNK)]], bufs[p], gsems[p]
            )

        def store_desc(g, p):
            return pltpu.make_async_copy(
                bufs[p], out_hbm.at[row, pl.ds(col + g * CHUNK, CHUNK)], ssems[p]
            )

        for p in range(NB - 1):
            gather_to(p, p)

        def block(i, carry):
            for p in range(NB):
                g = i * NB + p
                q = (p - 1) % NB

                @pl.when(g >= 1)
                def _():
                    store_desc(g - 1, q).wait()

                @pl.when(g + NB - 1 < n_steps)
                def _():
                    gather_to(g + NB - 1, q)

                pltpu.make_async_copy(
                    table_hbm.at[idx_v.at[pl.ds(g * CHUNK, CHUNK)]],
                    bufs[p],
                    gsems[p],
                ).wait()
                store_desc(g, p).start()
            return carry

        lax.fori_loop(0, n_blocks, block, 0)

        for g in range(n_blocks * NB, n_steps):
            p = g % NB
            pltpu.make_async_copy(
                table_hbm.at[idx_v.at[pl.ds(g * CHUNK, CHUNK)]], bufs[p], gsems[p]
            ).wait()
            store_desc(g, p).start()
            if g >= 1:
                store_desc(g - 1, (g - 1) % NB).wait()

        store_desc(n_steps - 1, (n_steps - 1) % NB).wait()

    return gather_kernel


_gather = _make_gather(VOCAB, HIDDEN, _B, _CHUNK, _NB)


@jax.jit
def kernel(input_ids, labels, embed_weight):
    del labels
    return _gather(input_ids.astype(jnp.int32), embed_weight)

# --- scband reference (transcript-rebuilt; emitter-appended) ---
"""Pipeline reference for scband-pre-embedding-pipe-layer-48275432407489 (READ-ONLY COPY).

The authoritative reference and input builder live on the scoring server;
editing this copy changes nothing except your own understanding.
"""

import jax, jax.numpy as jnp
import numpy as np

VOCAB = 100000
HIDDEN = 1024
BATCH = 4
SEQ = 4096

def setup_inputs(seed: int = 0) -> dict:
    key = jax.random.key(seed)
    k1, k2, k3 = jax.random.split(key, 3)
    input_ids = jax.random.randint(k1, (BATCH, SEQ), 0, VOCAB, dtype=jnp.int64 if jax.config.jax_enable_x64 else jnp.int32)
    labels = jax.random.randint(k2, (BATCH, SEQ), 0, VOCAB, dtype=jnp.int64 if jax.config.jax_enable_x64 else jnp.int32)
    embed_weight = jax.random.normal(k3, (VOCAB, HIDDEN), dtype=jnp.float32) * 0.02
    return {"input_ids": input_ids, "labels": labels, "embed_weight": embed_weight}

def reference(input_ids, labels, embed_weight):
    # PreEmbeddingPipeLayer.forward: unpack (input_ids, labels), embed input_ids,
    # return hidden_states (labels pass through unused for the returned tensor).
    inputs_embeds = jnp.take(embed_weight, input_ids, axis=0)
    hidden_states = inputs_embeds
    return hidden_states

if __name__ == "__main__":
    import jax
    _d = setup_inputs()
    print(jax.jit(kernel)(*tuple(_d.values())))

</pallas_src>

<mosaic_0001>
#map = affine_map<(d0, d1) -> (0, 0)>
#map1 = affine_map<(d0, d1) -> (0, 0, 0)>
module attributes {stable_mosaic.version = 14 : i64} {
  func.func @gather_kernel(%arg0: i32, %arg1: i32, %arg2: memref<4x4096xi32, #tpu.memory_space<hbm>>, %arg3: memref<100000x1024xf32, #tpu.memory_space<hbm>>, %arg4: memref<4x4096x1024xf32, #tpu.memory_space<hbm>>, %arg5: memref<512xi32, #tpu.memory_space<vmem>>, %arg6: memref<32x1024xf32, #tpu.memory_space<vmem>>, %arg7: memref<32x1024xf32, #tpu.memory_space<vmem>>, %arg8: memref<32x1024xf32, #tpu.memory_space<vmem>>, %arg9: memref<!tpu.dma_semaphore, #tpu.memory_space<semaphore_mem>>, %arg10: memref<!tpu.dma_semaphore, #tpu.memory_space<semaphore_mem>>, %arg11: memref<!tpu.dma_semaphore, #tpu.memory_space<semaphore_mem>>, %arg12: memref<!tpu.dma_semaphore, #tpu.memory_space<semaphore_mem>>, %arg13: memref<!tpu.dma_semaphore, #tpu.memory_space<semaphore_mem>>, %arg14: memref<!tpu.dma_semaphore, #tpu.memory_space<semaphore_mem>>) attributes {dimension_semantics = [#tpu.dimension_semantics<core_parallel>, #tpu.dimension_semantics<subcore_parallel>], iteration_bounds = array<i64: 2, 16>, scalar_prefetch = 0 : i64, scratch_operands = 10 : i64, tpu.core_type = #tpu.core_type<sc_vector_subcore>, window_params = [{transform_indices = #map}, {transform_indices = #map}, {transform_indices = #map1}]} {
    %mul3A = arith.constant 2 : i32
    %mul3A_0 = arith.muli %arg1, %mul3A : i32
    %add3A = arith.addi %mul3A_0, %arg0 : i32
    %jit3A = arith.constant 8 : i32
    %div3A = arith.divsi %add3A, %jit3A : i32
    %sign3A = arith.constant 0 : i32
    %sign3A_1 = arith.cmpi sgt, %add3A, %sign3A : i32
    %sign3A_2 = arith.extui %sign3A_1 : i1 to i32
    %sign3A_3 = arith.constant 0 : i32
    %sign3A_4 = arith.cmpi slt, %add3A, %sign3A_3 : i32
    %sign3A_5 = arith.extui %sign3A_4 : i1 to i32
    %sign3A_6 = arith.subi %sign3A_2, %sign3A_5 : i32
    %sign3A_7 = arith.constant 0 : i32
    %sign3A_8 = arith.cmpi sgt, %jit3A, %sign3A_7 : i32
    %sign3A_9 = arith.extui %sign3A_8 : i1 to i32
    %sign3A_10 = arith.constant 0 : i32
    %sign3A_11 = arith.cmpi slt, %jit3A, %sign3A_10 : i32
    %sign3A_12 = arith.extui %sign3A_11 : i1 to i32
    %sign3A_13 = arith.subi %sign3A_9, %sign3A_12 : i32
    %ne3A = arith.cmpi ne, %sign3A_6, %sign3A_13 : i32
    %rem3A = arith.remsi %add3A, %jit3A : i32
    %ne3A_14 = arith.constant 0 : i32
    %ne3A_15 = arith.cmpi ne, %rem3A, %ne3A_14 : i32
    %and3A = arith.andi %ne3A, %ne3A_15 : i1
    %sub3A = arith.constant 1 : i32
    %sub3A_16 = arith.subi %div3A, %sub3A : i32
    %select_n3A = arith.select %and3A, %sub3A_16, %div3A : i32
    %jit3A_17 = arith.constant 8 : i32
    %eq3A = arith.constant 0 : i32
    %eq3A_18 = arith.cmpi eq, %jit3A_17, %eq3A : i32
    %jit3A_19 = arith.constant 1 : i32
    %select_n3A_20 = arith.select %eq3A_18, %jit3A_19, %jit3A_17 : i32
    %rem3A_21 = arith.remsi %add3A, %select_n3A_20 : i32
    %ne3A_22 = arith.constant 0 : i32
    %ne3A_23 = arith.cmpi ne, %rem3A_21, %ne3A_22 : i32
    %lt3A = arith.constant 0 : i32
    %lt3A_24 = arith.cmpi slt, %rem3A_21, %lt3A : i32
    %lt3A_25 = arith.constant 0 : i32
    %lt3A_26 = arith.cmpi slt, %select_n3A_20, %lt3A_25 : i32
    %ne3A_27 = arith.xori %lt3A_24, %lt3A_26 : i1
    %and3A_28 = arith.andi %ne3A_27, %ne3A_23 : i1
    %add3A_29 = arith.addi %rem3A_21, %select_n3A_20 : i32
    %select_n3A_30 = arith.select %and3A_28, %add3A_29, %rem3A_21 : i32
    %mul3A_31 = arith.constant 512 : i32
    %mul3A_32 = arith.muli %select_n3A_30, %mul3A_31 : i32
    "tpu.region"() ({
      %run_scoped3A = tpu.sem_alloc : memref<!tpu.dma_semaphore, #tpu.memory_space<semaphore_mem>>
      %dma_start3A_75 = tpu.memref_slice %arg2[%select_n3A, %mul3A_32] : memref<4x4096xi32, #tpu.memory_space<hbm>> -> memref<1x512xi32, #tpu.memory_space<hbm>>
      %dma_start3A_76 = tpu.memref_squeeze %dma_start3A_75 : memref<1x512xi32, #tpu.memory_space<hbm>> -> memref<512xi32, #tpu.memory_space<hbm>>
      %dma_start3A_77 = tpu.memref_slice %arg2[%select_n3A, %mul3A_32] : memref<4x4096xi32, #tpu.memory_space<hbm>> -> memref<1x512xi32, #tpu.memory_space<hbm>>
      %dma_start3A_78 = tpu.memref_squeeze %dma_start3A_77 : memref<1x512xi32, #tpu.memory_space<hbm>> -> memref<512xi32, #tpu.memory_space<hbm>>
      tpu.enqueue_dma source(%dma_start3A_78 : memref<512xi32, #tpu.memory_space<hbm>>) target(%arg5 : memref<512xi32, #tpu.memory_space<vmem>>) target_semaphore(%run_scoped3A : memref<!tpu.dma_semaphore, #tpu.memory_space<semaphore_mem>>)
      %dma_wait3A_79 = tpu.memref_slice %arg2[%select_n3A, %mul3A_32] : memref<4x4096xi32, #tpu.memory_space<hbm>> -> memref<1x512xi32, #tpu.memory_space<hbm>>
      %dma_wait3A_80 = tpu.memref_squeeze %dma_wait3A_79 : memref<1x512xi32, #tpu.memory_space<hbm>> -> memref<512xi32, #tpu.memory_space<hbm>>
      %dma_wait3A_81 = tpu.memref_slice %arg2[%select_n3A, %mul3A_32] : memref<4x4096xi32, #tpu.memory_space<hbm>> -> memref<1x512xi32, #tpu.memory_space<hbm>>
      %dma_wait3A_82 = tpu.memref_squeeze %dma_wait3A_81 : memref<1x512xi32, #tpu.memory_space<hbm>> -> memref<512xi32, #tpu.memory_space<hbm>>
      tpu.wait_dma2 semaphore(%run_scoped3A : memref<!tpu.dma_semaphore, #tpu.memory_space<semaphore_mem>>) src(%dma_wait3A_82 : memref<512xi32, #tpu.memory_space<hbm>>) dst(%arg5 : memref<512xi32, #tpu.memory_space<vmem>>)
      tpu.yield
    }) : () -> ()
    %dma_start3A = arith.constant 0 : i32
    %dma_start3A_33 = tpu.memref_slice %arg5[%dma_start3A] : memref<512xi32, #tpu.memory_space<vmem>> -> memref<32xi32, #tpu.memory_space<vmem>>
    %dma_start3A_34 = arith.constant 0 : i32
    %dma_start3A_35 = arith.constant 0 : i32
    %dma_start3A_36 = tpu.memref_slice %arg3[%dma_start3A_34, %dma_start3A_35] : memref<100000x1024xf32, #tpu.memory_space<hbm>> -> memref<100000x1024xf32, #tpu.memory_space<hbm>>
    tpu.enqueue_indirect_dma source(%dma_start3A_36 : memref<100000x1024xf32, #tpu.memory_space<hbm>>) target(%arg6 : memref<32x1024xf32, #tpu.memory_space<vmem>>) offsets(%dma_start3A_33 : memref<32xi32, #tpu.memory_space<vmem>>) semaphore(%arg9 : memref<!tpu.dma_semaphore, #tpu.memory_space<semaphore_mem>>)
    %dma_start3A_37 = arith.constant 32 : i32
    %dma_start3A_38 = tpu.memref_slice %arg5[%dma_start3A_37] : memref<512xi32, #tpu.memory_space<vmem>> -> memref<32xi32, #tpu.memory_space<vmem>>
    %dma_start3A_39 = arith.constant 0 : i32
    %dma_start3A_40 = arith.constant 0 : i32
    %dma_start3A_41 = tpu.memref_slice %arg3[%dma_start3A_39, %dma_start3A_40] : memref<100000x1024xf32, #tpu.memory_space<hbm>> -> memref<100000x1024xf32, #tpu.memory_space<hbm>>
    tpu.enqueue_indirect_dma source(%dma_start3A_41 : memref<100000x1024xf32, #tpu.memory_space<hbm>>) target(%arg7 : memref<32x1024xf32, #tpu.memory_space<vmem>>) offsets(%dma_start3A_38 : memref<32xi32, #tpu.memory_space<vmem>>) semaphore(%arg10 : memref<!tpu.dma_semaphore, #tpu.memory_space<semaphore_mem>>)
    %scan3A = arith.constant 0 : i32
    %scan3A_42 = arith.constant 0 : i32
    %scan3A_43 = arith.constant 5 : i32
    %scan3A_44 = arith.addi %scan3A_42, %scan3A_43 : i32
    %scan3A_45 = arith.constant 1 : i32
    scf.for %scan3A_75 = %scan3A_42 to %scan3A_44 step %scan3A_45  : i32 {
      %mul3A_76 = arith.constant 3 : i32
      %mul3A_77 = arith.muli %scan3A_75, %mul3A_76 : i32
      %add3A_78 = arith.constant 0 : i32
      %add3A_79 = arith.addi %mul3A_77, %add3A_78 : i32
      %ge3A = arith.constant 1 : i32
      %ge3A_80 = arith.cmpi sge, %add3A_79, %ge3A : i32
      %convert_element_type3A = arith.extui %ge3A_80 : i1 to i32
      %cond3A = arith.constant 0 : i32
      %cond3A_81 = arith.cmpi ne, %convert_element_type3A, %cond3A : i32
      scf.if %cond3A_81 {
        %sub3A_172 = arith.constant 1 : i32
        %sub3A_173 = arith.subi %add3A_79, %sub3A_172 : i32
        %mul3A_174 = arith.constant 32 : i32
        %mul3A_175 = arith.muli %sub3A_173, %mul3A_174 : i32
        %add3A_176 = arith.addi %mul3A_32, %mul3A_175 : i32
        %dma_wait3A_177 = arith.constant 0 : i32
        %dma_wait3A_178 = tpu.memref_slice %arg4[%select_n3A, %add3A_176, %dma_wait3A_177] : memref<4x4096x1024xf32, #tpu.memory_space<hbm>> -> memref<1x32x1024xf32, #tpu.memory_space<hbm>>
        %dma_wait3A_179 = tpu.memref_squeeze %dma_wait3A_178 : memref<1x32x1024xf32, #tpu.memory_space<hbm>> -> memref<32x1024xf32, #tpu.memory_space<hbm>>
        %dma_wait3A_180 = arith.constant 0 : i32
        %dma_wait3A_181 = tpu.memref_slice %arg4[%select_n3A, %add3A_176, %dma_wait3A_180] : memref<4x4096x1024xf32, #tpu.memory_space<hbm>> -> memref<1x32x1024xf32, #tpu.memory_space<hbm>>
        %dma_wait3A_182 = tpu.memref_squeeze %dma_wait3A_181 : memref<1x32x1024xf32, #tpu.memory_space<hbm>> -> memref<32x1024xf32, #tpu.memory_space<hbm>>
        tpu.wait_dma2 semaphore(%arg14 : memref<!tpu.dma_semaphore, #tpu.memory_space<semaphore_mem>>) src(%arg8 : memref<32x1024xf32, #tpu.memory_space<vmem>>) dst(%dma_wait3A_182 : memref<32x1024xf32, #tpu.memory_space<hbm>>)
      } else {
      }
      %add3A_82 = arith.constant 3 : i32
      %add3A_83 = arith.addi %add3A_79, %add3A_82 : i32
      %sub3A_84 = arith.constant 1 : i32
      %sub3A_85 = arith.subi %add3A_83, %sub3A_84 : i32
      %lt3A_86 = arith.constant 16 : i32
      %lt3A_87 = arith.cmpi slt, %sub3A_85, %lt3A_86 : i32
      %convert_element_type3A_88 = arith.extui %lt3A_87 : i1 to i32
      %cond3A_89 = arith.constant 0 : i32
      %cond3A_90 = arith.cmpi ne, %convert_element_type3A_88, %cond3A_89 : i32
      scf.if %cond3A_90 {
        %add3A_172 = arith.constant 3 : i32
        %add3A_173 = arith.addi %add3A_79, %add3A_172 : i32
        %sub3A_174 = arith.constant 1 : i32
        %sub3A_175 = arith.subi %add3A_173, %sub3A_174 : i32
        %mul3A_176 = arith.constant 32 : i32
        %mul3A_177 = arith.muli %sub3A_175, %mul3A_176 : i32
        %dma_start3A_178 = tpu.memref_slice %arg5[%mul3A_177] : memref<512xi32, #tpu.memory_space<vmem>> -> memref<32xi32, #tpu.memory_space<vmem>>
        %dma_start3A_179 = arith.constant 0 : i32
        %dma_start3A_180 = arith.constant 0 : i32
        %dma_start3A_181 = tpu.memref_slice %arg3[%dma_start3A_179, %dma_start3A_180] : memref<100000x1024xf32, #tpu.memory_space<hbm>> -> memref<100000x1024xf32, #tpu.memory_space<hbm>>
        tpu.enqueue_indirect_dma source(%dma_start3A_181 : memref<100000x1024xf32, #tpu.memory_space<hbm>>) target(%arg8 : memref<32x1024xf32, #tpu.memory_space<vmem>>) offsets(%dma_start3A_178 : memref<32xi32, #tpu.memory_space<vmem>>) semaphore(%arg11 : memref<!tpu.dma_semaphore, #tpu.memory_space<semaphore_mem>>)
      } else {
      }
      %mul3A_91 = arith.constant 32 : i32
      %mul3A_92 = arith.muli %add3A_79, %mul3A_91 : i32
      %dma_wait3A_93 = tpu.memref_slice %arg5[%mul3A_92] : memref<512xi32, #tpu.memory_space<vmem>> -> memref<32xi32, #tpu.memory_space<vmem>>
      %dma_wait3A_94 = arith.constant 0 : i32
      %dma_wait3A_95 = arith.constant 0 : i32
      %dma_wait3A_96 = tpu.memref_slice %arg3[%dma_wait3A_94, %dma_wait3A_95] : memref<100000x1024xf32, #tpu.memory_space<hbm>> -> memref<100000x1024xf32, #tpu.memory_space<hbm>>
      tpu.wait_indirect_dma semaphore(%arg9 : memref<!tpu.dma_semaphore, #tpu.memory_space<semaphore_mem>>) src(%dma_wait3A_96 : memref<100000x1024xf32, #tpu.memory_space<hbm>>) dst(%arg6 : memref<32x1024xf32, #tpu.memory_space<vmem>>)
      %mul3A_97 = arith.constant 32 : i32
      %mul3A_98 = arith.muli %add3A_79, %mul3A_97 : i32
      %add3A_99 = arith.addi %mul3A_32, %mul3A_98 : i32
      %dma_start3A_100 = arith.constant 0 : i32
      %dma_start3A_101 = tpu.memref_slice %arg4[%select_n3A, %add3A_99, %dma_start3A_100] : memref<4x4096x1024xf32, #tpu.memory_space<hbm>> -> memref<1x32x1024xf32, #tpu.memory_space<hbm>>
      %dma_start3A_102 = tpu.memref_squeeze %dma_start3A_101 : memref<1x32x1024xf32, #tpu.memory_space<hbm>> -> memref<32x1024xf32, #tpu.memory_space<hbm>>
      %dma_start3A_103 = arith.constant 0 : i32
      %dma_start3A_104 = tpu.memref_slice %arg4[%select_n3A, %add3A_99, %dma_start3A_103] : memref<4x4096x1024xf32, #tpu.memory_space<hbm>> -> memref<1x32x1024xf32, #tpu.memory_space<hbm>>
      %dma_start3A_105 = tpu.memref_squeeze %dma_start3A_104 : memref<1x32x1024xf32, #tpu.memory_space<hbm>> -> memref<32x1024xf32, #tpu.memory_space<hbm>>
      tpu.enqueue_dma source(%arg6 : memref<32x1024xf32, #tpu.memory_space<vmem>>) target(%dma_start3A_105 : memref<32x1024xf32, #tpu.memory_space<hbm>>) target_semaphore(%arg12 : memref<!tpu.dma_semaphore, #tpu.memory_space<semaphore_mem>>)
      %mul3A_106 = arith.constant 3 : i32
      %mul3A_107 = arith.muli %scan3A_75, %mul3A_106 : i32
      %add3A_108 = arith.constant 1 : i32
      %add3A_109 = arith.addi %mul3A_107, %add3A_108 : i32
      %ge3A_110 = arith.constant 1 : i32
      %ge3A_111 = arith.cmpi sge, %add3A_109, %ge3A_110 : i32
      %convert_element_type3A_112 = arith.extui %ge3A_111 : i1 to i32
      %cond3A_113 = arith.constant 0 : i32
      %cond3A_114 = arith.cmpi ne, %convert_element_type3A_112, %cond3A_113 : i32
      scf.if %cond3A_114 {
        %sub3A_172 = arith.constant 1 : i32
        %sub3A_173 = arith.subi %add3A_109, %sub3A_172 : i32
        %mul3A_174 = arith.constant 32 : i32
        %mul3A_175 = arith.muli %sub3A_173, %mul3A_174 : i32
        %add3A_176 = arith.addi %mul3A_32, %mul3A_175 : i32
        %dma_wait3A_177 = arith.constant 0 : i32
        %dma_wait3A_178 = tpu.memref_slice %arg4[%select_n3A, %add3A_176, %dma_wait3A_177] : memref<4x4096x1024xf32, #tpu.memory_space<hbm>> -> memref<1x32x1024xf32, #tpu.memory_space<hbm>>
        %dma_wait3A_179 = tpu.memref_squeeze %dma_wait3A_178 : memref<1x32x1024xf32, #tpu.memory_space<hbm>> -> memref<32x1024xf32, #tpu.memory_space<hbm>>
        %dma_wait3A_180 = arith.constant 0 : i32
        %dma_wait3A_181 = tpu.memref_slice %arg4[%select_n3A, %add3A_176, %dma_wait3A_180] : memref<4x4096x1024xf32, #tpu.memory_space<hbm>> -> memref<1x32x1024xf32, #tpu.memory_space<hbm>>
        %dma_wait3A_182 = tpu.memref_squeeze %dma_wait3A_181 : memref<1x32x1024xf32, #tpu.memory_space<hbm>> -> memref<32x1024xf32, #tpu.memory_space<hbm>>
        tpu.wait_dma2 semaphore(%arg12 : memref<!tpu.dma_semaphore, #tpu.memory_space<semaphore_mem>>) src(%arg6 : memref<32x1024xf32, #tpu.memory_space<vmem>>) dst(%dma_wait3A_182 : memref<32x1024xf32, #tpu.memory_space<hbm>>)
      } else {
      }
      %add3A_115 = arith.constant 3 : i32
      %add3A_116 = arith.addi %add3A_109, %add3A_115 : i32
      %sub3A_117 = arith.constant 1 : i32
      %sub3A_118 = arith.subi %add3A_116, %sub3A_117 : i32
      %lt3A_119 = arith.constant 16 : i32
      %lt3A_120 = arith.cmpi slt, %sub3A_118, %lt3A_119 : i32
      %convert_element_type3A_121 = arith.extui %lt3A_120 : i1 to i32
      %cond3A_122 = arith.constant 0 : i32
      %cond3A_123 = arith.cmpi ne, %convert_element_type3A_121, %cond3A_122 : i32
      scf.if %cond3A_123 {
        %add3A_172 = arith.constant 3 : i32
        %add3A_173 = arith.addi %add3A_109, %add3A_172 : i32
        %sub3A_174 = arith.constant 1 : i32
        %sub3A_175 = arith.subi %add3A_173, %sub3A_174 : i32
        %mul3A_176 = arith.constant 32 : i32
        %mul3A_177 = arith.muli %sub3A_175, %mul3A_176 : i32
        %dma_start3A_178 = tpu.memref_slice %arg5[%mul3A_177] : memref<512xi32, #tpu.memory_space<vmem>> -> memref<32xi32, #tpu.memory_space<vmem>>
        %dma_start3A_179 = arith.constant 0 : i32
        %dma_start3A_180 = arith.constant 0 : i32
        %dma_start3A_181 = tpu.memref_slice %arg3[%dma_start3A_179, %dma_start3A_180] : memref<100000x1024xf32, #tpu.memory_space<hbm>> -> memref<100000x1024xf32, #tpu.memory_space<hbm>>
        tpu.enqueue_indirect_dma source(%dma_start3A_181 : memref<100000x1024xf32, #tpu.memory_space<hbm>>) target(%arg6 : memref<32x1024xf32, #tpu.memory_space<vmem>>) offsets(%dma_start3A_178 : memref<32xi32, #tpu.memory_space<vmem>>) semaphore(%arg9 : memref<!tpu.dma_semaphore, #tpu.memory_space<semaphore_mem>>)
      } else {
      }
      %mul3A_124 = arith.constant 32 : i32
      %mul3A_125 = arith.muli %add3A_109, %mul3A_124 : i32
      %dma_wait3A_126 = tpu.memref_slice %arg5[%mul3A_125] : memref<512xi32, #tpu.memory_space<vmem>> -> memref<32xi32, #tpu.memory_space<vmem>>
      %dma_wait3A_127 = arith.constant 0 : i32
      %dma_wait3A_128 = arith.constant 0 : i32
      %dma_wait3A_129 = tpu.memref_slice %arg3[%dma_wait3A_127, %dma_wait3A_128] : memref<100000x1024xf32, #tpu.memory_space<hbm>> -> memref<100000x1024xf32, #tpu.memory_space<hbm>>
      tpu.wait_indirect_dma semaphore(%arg10 : memref<!tpu.dma_semaphore, #tpu.memory_space<semaphore_mem>>) src(%dma_wait3A_129 : memref<100000x1024xf32, #tpu.memory_space<hbm>>) dst(%arg7 : memref<32x1024xf32, #tpu.memory_space<vmem>>)
      %mul3A_130 = arith.constant 32 : i32
      %mul3A_131 = arith.muli %add3A_109, %mul3A_130 : i32
      %add3A_132 = arith.addi %mul3A_32, %mul3A_131 : i32
      %dma_start3A_133 = arith.constant 0 : i32
      %dma_start3A_134 = tpu.memref_slice %arg4[%select_n3A, %add3A_132, %dma_start3A_133] : memref<4x4096x1024xf32, #tpu.memory_space<hbm>> -> memref<1x32x1024xf32, #tpu.memory_space<hbm>>
      %dma_start3A_135 = tpu.memref_squeeze %dma_start3A_134 : memref<1x32x1024xf32, #tpu.memory_space<hbm>> -> memref<32x1024xf32, #tpu.memory_space<hbm>>
      %dma_start3A_136 = arith.constant 0 : i32
      %dma_start3A_137 = tpu.memref_slice %arg4[%select_n3A, %add3A_132, %dma_start3A_136] : memref<4x4096x1024xf32, #tpu.memory_space<hbm>> -> memref<1x32x1024xf32, #tpu.memory_space<hbm>>
      %dma_start3A_138 = tpu.memref_squeeze %dma_start3A_137 : memref<1x32x1024xf32, #tpu.memory_space<hbm>> -> memref<32x1024xf32, #tpu.memory_space<hbm>>
      tpu.enqueue_dma source(%arg7 : memref<32x1024xf32, #tpu.memory_space<vmem>>) target(%dma_start3A_138 : memref<32x1024xf32, #tpu.memory_space<hbm>>) target_semaphore(%arg13 : memref<!tpu.dma_semaphore, #tpu.memory_space<semaphore_mem>>)
      %mul3A_139 = arith.constant 3 : i32
      %mul3A_140 = arith.muli %scan3A_75, %mul3A_139 : i32
      %add3A_141 = arith.constant 2 : i32
      %add3A_142 = arith.addi %mul3A_140, %add3A_141 : i32
      %ge3A_143 = arith.constant 1 : i32
      %ge3A_144 = arith.cmpi sge, %add3A_142, %ge3A_143 : i32
      %convert_element_type3A_145 = arith.extui %ge3A_144 : i1 to i32
      %cond3A_146 = arith.constant 0 : i32
      %cond3A_147 = arith.cmpi ne, %convert_element_type3A_145, %cond3A_146 : i32
      scf.if %cond3A_147 {
        %sub3A_172 = arith.constant 1 : i32
        %sub3A_173 = arith.subi %add3A_142, %sub3A_172 : i32
        %mul3A_174 = arith.constant 32 : i32
        %mul3A_175 = arith.muli %sub3A_173, %mul3A_174 : i32
        %add3A_176 = arith.addi %mul3A_32, %mul3A_175 : i32
        %dma_wait3A_177 = arith.constant 0 : i32
        %dma_wait3A_178 = tpu.memref_slice %arg4[%select_n3A, %add3A_176, %dma_wait3A_177] : memref<4x4096x1024xf32, #tpu.memory_space<hbm>> -> memref<1x32x1024xf32, #tpu.memory_space<hbm>>
        %dma_wait3A_179 = tpu.memref_squeeze %dma_wait3A_178 : memref<1x32x1024xf32, #tpu.memory_space<hbm>> -> memref<32x1024xf32, #tpu.memory_space<hbm>>
        %dma_wait3A_180 = arith.constant 0 : i32
        %dma_wait3A_181 = tpu.memref_slice %arg4[%select_n3A, %add3A_176, %dma_wait3A_180] : memref<4x4096x1024xf32, #tpu.memory_space<hbm>> -> memref<1x32x1024xf32, #tpu.memory_space<hbm>>
        %dma_wait3A_182 = tpu.memref_squeeze %dma_wait3A_181 : memref<1x32x1024xf32, #tpu.memory_space<hbm>> -> memref<32x1024xf32, #tpu.memory_space<hbm>>
        tpu.wait_dma2 semaphore(%arg13 : memref<!tpu.dma_semaphore, #tpu.memory_space<semaphore_mem>>) src(%arg7 : memref<32x1024xf32, #tpu.memory_space<vmem>>) dst(%dma_wait3A_182 : memref<32x1024xf32, #tpu.memory_space<hbm>>)
      } else {
      }
      %add3A_148 = arith.constant 3 : i32
      %add3A_149 = arith.addi %add3A_142, %add3A_148 : i32
      %sub3A_150 = arith.constant 1 : i32
      %sub3A_151 = arith.subi %add3A_149, %sub3A_150 : i32
      %lt3A_152 = arith.constant 16 : i32
      %lt3A_153 = arith.cmpi slt, %sub3A_151, %lt3A_152 : i32
      %convert_element_type3A_154 = arith.extui %lt3A_153 : i1 to i32
      %cond3A_155 = arith.constant 0 : i32
      %cond3A_156 = arith.cmpi ne, %convert_element_type3A_154, %cond3A_155 : i32
      scf.if %cond3A_156 {
        %add3A_172 = arith.constant 3 : i32
        %add3A_173 = arith.addi %add3A_142, %add3A_172 : i32
        %sub3A_174 = arith.constant 1 : i32
        %sub3A_175 = arith.subi %add3A_173, %sub3A_174 : i32
        %mul3A_176 = arith.constant 32 : i32
        %mul3A_177 = arith.muli %sub3A_175, %mul3A_176 : i32
        %dma_start3A_178 = tpu.memref_slice %arg5[%mul3A_177] : memref<512xi32, #tpu.memory_space<vmem>> -> memref<32xi32, #tpu.memory_space<vmem>>
        %dma_start3A_179 = arith.constant 0 : i32
        %dma_start3A_180 = arith.constant 0 : i32
        %dma_start3A_181 = tpu.memref_slice %arg3[%dma_start3A_179, %dma_start3A_180] : memref<100000x1024xf32, #tpu.memory_space<hbm>> -> memref<100000x1024xf32, #tpu.memory_space<hbm>>
        tpu.enqueue_indirect_dma source(%dma_start3A_181 : memref<100000x1024xf32, #tpu.memory_space<hbm>>) target(%arg7 : memref<32x1024xf32, #tpu.memory_space<vmem>>) offsets(%dma_start3A_178 : memref<32xi32, #tpu.memory_space<vmem>>) semaphore(%arg10 : memref<!tpu.dma_semaphore, #tpu.memory_space<semaphore_mem>>)
      } else {
      }
      %mul3A_157 = arith.constant 32 : i32
      %mul3A_158 = arith.muli %add3A_142, %mul3A_157 : i32
      %dma_wait3A_159 = tpu.memref_slice %arg5[%mul3A_158] : memref<512xi32, #tpu.memory_space<vmem>> -> memref<32xi32, #tpu.memory_space<vmem>>
      %dma_wait3A_160 = arith.constant 0 : i32
      %dma_wait3A_161 = arith.constant 0 : i32
      %dma_wait3A_162 = tpu.memref_slice %arg3[%dma_wait3A_160, %dma_wait3A_161] : memref<100000x1024xf32, #tpu.memory_space<hbm>> -> memref<100000x1024xf32, #tpu.memory_space<hbm>>
      tpu.wait_indirect_dma semaphore(%arg11 : memref<!tpu.dma_semaphore, #tpu.memory_space<semaphore_mem>>) src(%dma_wait3A_162 : memref<100000x1024xf32, #tpu.memory_space<hbm>>) dst(%arg8 : memref<32x1024xf32, #tpu.memory_space<vmem>>)
      %mul3A_163 = arith.constant 32 : i32
      %mul3A_164 = arith.muli %add3A_142, %mul3A_163 : i32
      %add3A_165 = arith.addi %mul3A_32, %mul3A_164 : i32
      %dma_start3A_166 = arith.constant 0 : i32
      %dma_start3A_167 = tpu.memref_slice %arg4[%select_n3A, %add3A_165, %dma_start3A_166] : memref<4x4096x1024xf32, #tpu.memory_space<hbm>> -> memref<1x32x1024xf32, #tpu.memory_space<hbm>>
      %dma_start3A_168 = tpu.memref_squeeze %dma_start3A_167 : memref<1x32x1024xf32, #tpu.memory_space<hbm>> -> memref<32x1024xf32, #tpu.memory_space<hbm>>
      %dma_start3A_169 = arith.constant 0 : i32
      %dma_start3A_170 = tpu.memref_slice %arg4[%select_n3A, %add3A_165, %dma_start3A_169] : memref<4x4096x1024xf32, #tpu.memory_space<hbm>> -> memref<1x32x1024xf32, #tpu.memory_space<hbm>>
      %dma_start3A_171 = tpu.memref_squeeze %dma_start3A_170 : memref<1x32x1024xf32, #tpu.memory_space<hbm>> -> memref<32x1024xf32, #tpu.memory_space<hbm>>
      tpu.enqueue_dma source(%arg8 : memref<32x1024xf32, #tpu.memory_space<vmem>>) target(%dma_start3A_171 : memref<32x1024xf32, #tpu.memory_space<hbm>>) target_semaphore(%arg14 : memref<!tpu.dma_semaphore, #tpu.memory_space<semaphore_mem>>)
    }
    %scan3A_46 = arith.constant 5 : i32
    %dma_wait3A = arith.constant 480 : i32
    %dma_wait3A_47 = tpu.memref_slice %arg5[%dma_wait3A] : memref<512xi32, #tpu.memory_space<vmem>> -> memref<32xi32, #tpu.memory_space<vmem>>
    %dma_wait3A_48 = arith.constant 0 : i32
    %dma_wait3A_49 = arith.constant 0 : i32
    %dma_wait3A_50 = tpu.memref_slice %arg3[%dma_wait3A_48, %dma_wait3A_49] : memref<100000x1024xf32, #tpu.memory_space<hbm>> -> memref<100000x1024xf32, #tpu.memory_space<hbm>>
    tpu.wait_indirect_dma semaphore(%arg9 : memref<!tpu.dma_semaphore, #tpu.memory_space<semaphore_mem>>) src(%dma_wait3A_50 : memref<100000x1024xf32, #tpu.memory_space<hbm>>) dst(%arg6 : memref<32x1024xf32, #tpu.memory_space<vmem>>)
    %add3A_51 = arith.constant 480 : i32
    %add3A_52 = arith.addi %mul3A_32, %add3A_51 : i32
    %dma_start3A_53 = arith.constant 0 : i32
    %dma_start3A_54 = tpu.memref_slice %arg4[%select_n3A, %add3A_52, %dma_start3A_53] : memref<4x4096x1024xf32, #tpu.memory_space<hbm>> -> memref<1x32x1024xf32, #tpu.memory_space<hbm>>
    %dma_start3A_55 = tpu.memref_squeeze %dma_start3A_54 : memref<1x32x1024xf32, #tpu.memory_space<hbm>> -> memref<32x1024xf32, #tpu.memory_space<hbm>>
    %dma_start3A_56 = arith.constant 0 : i32
    %dma_start3A_57 = tpu.memref_slice %arg4[%select_n3A, %add3A_52, %dma_start3A_56] : memref<4x4096x1024xf32, #tpu.memory_space<hbm>> -> memref<1x32x1024xf32, #tpu.memory_space<hbm>>
    %dma_start3A_58 = tpu.memref_squeeze %dma_start3A_57 : memref<1x32x1024xf32, #tpu.memory_space<hbm>> -> memref<32x1024xf32, #tpu.memory_space<hbm>>
    tpu.enqueue_dma source(%arg6 : memref<32x1024xf32, #tpu.memory_space<vmem>>) target(%dma_start3A_58 : memref<32x1024xf32, #tpu.memory_space<hbm>>) target_semaphore(%arg12 : memref<!tpu.dma_semaphore, #tpu.memory_space<semaphore_mem>>)
    %add3A_59 = arith.constant 448 : i32
    %add3A_60 = arith.addi %mul3A_32, %add3A_59 : i32
    %dma_wait3A_61 = arith.constant 0 : i32
    %dma_wait3A_62 = tpu.memref_slice %arg4[%select_n3A, %add3A_60, %dma_wait3A_61] : memref<4x4096x1024xf32, #tpu.memory_space<hbm>> -> memref<1x32x1024xf32, #tpu.memory_space<hbm>>
    %dma_wait3A_63 = tpu.memref_squeeze %dma_wait3A_62 : memref<1x32x1024xf32, #tpu.memory_space<hbm>> -> memref<32x1024xf32, #tpu.memory_space<hbm>>
    %dma_wait3A_64 = arith.constant 0 : i32
    %dma_wait3A_65 = tpu.memref_slice %arg4[%select_n3A, %add3A_60, %dma_wait3A_64] : memref<4x4096x1024xf32, #tpu.memory_space<hbm>> -> memref<1x32x1024xf32, #tpu.memory_space<hbm>>
    %dma_wait3A_66 = tpu.memref_squeeze %dma_wait3A_65 : memref<1x32x1024xf32, #tpu.memory_space<hbm>> -> memref<32x1024xf32, #tpu.memory_space<hbm>>
    tpu.wait_dma2 semaphore(%arg14 : memref<!tpu.dma_semaphore, #tpu.memory_space<semaphore_mem>>) src(%arg8 : memref<32x1024xf32, #tpu.memory_space<vmem>>) dst(%dma_wait3A_66 : memref<32x1024xf32, #tpu.memory_space<hbm>>)
    %add3A_67 = arith.constant 480 : i32
    %add3A_68 = arith.addi %mul3A_32, %add3A_67 : i32
    %dma_wait3A_69 = arith.constant 0 : i32
    %dma_wait3A_70 = tpu.memref_slice %arg4[%select_n3A, %add3A_68, %dma_wait3A_69] : memref<4x4096x1024xf32, #tpu.memory_space<hbm>> -> memref<1x32x1024xf32, #tpu.memory_space<hbm>>
    %dma_wait3A_71 = tpu.memref_squeeze %dma_wait3A_70 : memref<1x32x1024xf32, #tpu.memory_space<hbm>> -> memref<32x1024xf32, #tpu.memory_space<hbm>>
    %dma_wait3A_72 = arith.constant 0 : i32
    %dma_wait3A_73 = tpu.memref_slice %arg4[%select_n3A, %add3A_68, %dma_wait3A_72] : memref<4x4096x1024xf32, #tpu.memory_space<hbm>> -> memref<1x32x1024xf32, #tpu.memory_space<hbm>>
    %dma_wait3A_74 = tpu.memref_squeeze %dma_wait3A_73 : memref<1x32x1024xf32, #tpu.memory_space<hbm>> -> memref<32x1024xf32, #tpu.memory_space<hbm>>
    tpu.wait_dma2 semaphore(%arg12 : memref<!tpu.dma_semaphore, #tpu.memory_space<semaphore_mem>>) src(%arg6 : memref<32x1024xf32, #tpu.memory_space<vmem>>) dst(%dma_wait3A_74 : memref<32x1024xf32, #tpu.memory_space<hbm>>)
    return
  }
}

</mosaic_0001>

<sc_bundles>
// kernel: kernel.3.cloned.1.call-start
scs
__scs_entry_jumppad:
0x0: {  	(pc) =	sbr.rel $0x88, $3  }
0x1: {  	(tag) =	ssettag $0x0;
	lr =	simm.s32 $0x1  }
0x2: {  	[smem:$0x3F9F] =	sst lr;
	_ =	strace $0xD0000000  }
0x3: {  	_ = 	snop  }
0x4: {  	_ = 	snop  }
0x5: {  	_ = 	snop  }
0x6: {  	_ = 	snop  }
0x7: {  	_ = 	snop  }
__scs_overlays_trampoline_lowered:
0x8: {  	[smem:$0x3FAE] =	sst s0  }
0x9: {  	[smem:$0x3FAF] =	sst s1  }
0xa: {  	[smem:$0x3FB0] =	sst s2  }
0xb: {  	[smem:$0x3FB1] =	sst s3  }
0xc: {  	[smem:$0x3FB2] =	sst s4  }
0xd: {  	[smem:$0x3FB3] =	sst s5  }
0xe: {  	[smem:$0x3FB4] =	sst s6  }
0xf: {  	[smem:$0x3FB5] =	sst s7  }
0x10: {  	[smem:$0x3FB6] =	sst s8  }
0x11: {  	[smem:$0x3FB7] =	sst s9;
	s0 =	simm.s32 @!p0 $0x0  }
0x12: {  	s1 =	sld [smem:$0x3F9D];
	s0 =	simm.s32 @p0 $0x1  }
0x13: {  	[smem:$0x3FB8] =	sst s0;
	s0 =	simm.s32 @!p1 $0x0  }
0x14: {  	s2 =	sld [smem:$0x3F9C];
	s0 =	simm.s32 @p1 $0x1  }
0x15: {  	[smem:$0x3FB9] =	sst s0;
	s0 =	simm.s32 @!p2 $0x0  }
0x16: {  	s3 =	sld [smem:$0x3FDB];
	s0 =	simm.s32 @p2 $0x1  }
0x17: {  	s4 =	simm.s32 $0x1BF5;
	[smem:$0x3FBB] =	sst s0  }
0x18: {  	s0 =	sld [smem:$0x3F9E];
	_ =	swait.ge [sflag:s4], $0x0  }
0x19: {  	s7 =	sld [smem:$0x3F9F]  }
0x1a: {  	s8 =	sadd.s32 $0xFFFFE003, lr  }
0x1b: {  	s9 =	sadd.s32 $0xFFFFFEF7, lr;
	s5 =	simm.s32 $0xFFFFFFFF;
	p2 =	slt.u32 s8, $0xFFFFF086  }
0x1c: {  	p1 =	slt.u32 s9, $0xF7A;
	s5 =	simm.s32 @!p2 $0x0  }
0x1d: {  	s5 =	simm.s32 @p1 $0x1;
	p0 =	seq.s32 s7, s2  }
0x1e: {  	s7 =	smul.u32 @!p0 $0xF7A, s2;
	p2 =	seq.s32 @!p0 s5, $0x0  }
0x1f: {  	s9 =	smul.u32 $0xF7A, s1;
	s8 =	simm.s32 @!p0 $0x1BF5;
	p2 =	por !p2, p0  }
0x20: {  	[sflag:s8] =	ssyncset.s32 @!p0 $0xFFFFF086;
	s6 =	sadd.s32 @!p0 s3, s7;
	s7 =	simm.s32 @!p0 $0x108  }
0x21: {  	s3 =	sadd.s32 s3, s9;
	s6 =	sadd.s32 @!p0 $0x88, s6;
	s7 =	simm.s32 @p2 $0x1082  }
0x22: {  	[simem:s7], [sflag:s8] =	dma.local @!p0 [hbm:s6], $0xF7A  }
0x23: {  	s9 =	sor.u32 $0xD0000000, s2;
	s6 =	simm.s32 $0x108;
	_ =	swait.ge @!p0 [sflag:s8], $0x0  }
0x24: {  	s3 =	sadd.s32 $0x88, s3;
	s6 =	simm.s32 @!p1 $0x1082;
	[sflag:s4] =	ssyncset.s32 $0xFFFFF086  }
0x25: {  	[simem:s6], [sflag:s4] =	dma.local [hbm:s3], $0xF7A  }
0x26: {  	[smem:$0x3F9F] =	sst s1;
	(tag) =	ssettag s2;
	_ =	strace s9  }
0x27: {  	s1 =	sld [smem:$0x3FAF]  }
0x28: {  	s2 =	sld [smem:$0x3FB0]  }
0x29: {  	s4 =	sld [smem:$0x3FB2]  }
0x2a: {  	p0 =	seq.s32 s5, $0x0;
	s5 =	sld [smem:$0x3FB3]  }
0x2b: {  	s6 =	sld [smem:$0x3FB4]  }
0x2c: {  	s7 =	sld [smem:$0x3FB5]  }
0x2d: {  	s3 =	simm.s32 $0x108;
	s8 =	sld [smem:$0x3FB6]  }
0x2e: {  	s3 =	simm.s32 @!p0 $0x1082;
	s9 =	sld [smem:$0x3FB7]  }
0x2f: {  	lr =	sadd.s32 s0, s3;
	s0 =	sld [smem:$0x3FAE]  }
0x30: {  	s3 =	sld [smem:$0x3FB1]  }
0x31: {  	[smem:$0x3FBA] =	sst s10  }
0x32: {  	s10 =	sld [smem:$0x3FB8];
	_ =	sdelay $0x3  }
0x33: {  	p0 =	seq.s32 s10, $0x1;
	s10 =	sld [smem:$0x3FBA];
	_ =	sdelay $0x3  }
0x34: {  	[smem:$0x3FBA] =	sst s10  }
0x35: {  	s10 =	sld [smem:$0x3FB9];
	_ =	sdelay $0x3  }
0x36: {  	p1 =	seq.s32 s10, $0x1;
	s10 =	sld [smem:$0x3FBA];
	_ =	sdelay $0x3  }
0x37: {  	[smem:$0x3FBA] =	sst s10  }
0x38: {  	s10 =	sld [smem:$0x3FBB]  }
0x39: {  	_ = 	snop;
	(pc) =	sbr.ind lr, $3  }
0x3a: {  	_ = 	snop  }
0x3b: {  	_ = 	snop  }
0x3c: {  	p2 =	seq.s32 s10, $0x1;
	s10 =	sld [smem:$0x3FBA]  }
0x3d: {  	_ =	shalt  }
0x3e: {  	_ =	shalt  }
0x3f: {  	_ =	shalt  }
0x40: {  	_ =	shalt  }
0x41: {  	_ =	shalt  }
0x42: {  	_ =	shalt  }
0x43: {  	_ =	shalt  }
0x44: {  	_ =	shalt  }
0x45: {  	_ =	shalt  }
0x46: {  	_ =	shalt  }
0x47: {  	_ =	shalt  }
0x48: {  	_ =	shalt  }
0x49: {  	_ =	shalt  }
0x4a: {  	_ =	shalt  }
0x4b: {  	_ =	shalt  }
0x4c: {  	_ =	shalt  }
0x4d: {  	_ =	shalt  }
0x4e: {  	_ =	shalt  }
0x4f: {  	_ =	shalt  }
0x50: {  	_ =	shalt  }
0x51: {  	_ =	shalt  }
0x52: {  	_ =	shalt  }
0x53: {  	_ =	shalt  }
0x54: {  	_ =	shalt  }
0x55: {  	_ =	shalt  }
0x56: {  	_ =	shalt  }
0x57: {  	_ =	shalt  }
0x58: {  	_ =	shalt  }
0x59: {  	_ =	shalt  }
0x5a: {  	_ =	shalt  }
0x5b: {  	_ =	shalt  }
0x5c: {  	_ =	shalt  }
0x5d: {  	_ =	shalt  }
0x5e: {  	_ =	shalt  }
0x5f: {  	_ =	shalt  }
0x60: {  	_ =	shalt  }
0x61: {  	_ =	shalt  }
0x62: {  	_ =	shalt  }
0x63: {  	_ =	shalt  }
0x64: {  	_ =	shalt  }
0x65: {  	_ =	shalt  }
0x66: {  	_ =	shalt  }
0x67: {  	_ =	shalt  }
0x68: {  	_ =	shalt  }
0x69: {  	_ =	shalt  }
0x6a: {  	_ =	shalt  }
0x6b: {  	_ =	shalt  }
0x6c: {  	_ =	shalt  }
0x6d: {  	_ =	shalt  }
0x6e: {  	_ =	shalt  }
0x6f: {  	_ =	shalt  }
0x70: {  	_ =	shalt  }
0x71: {  	_ =	shalt  }
0x72: {  	_ =	shalt  }
0x73: {  	_ =	shalt  }
0x74: {  	_ =	shalt  }
0x75: {  	_ =	shalt  }
0x76: {  	_ =	shalt  }
0x77: {  	_ =	shalt  }
0x78: {  	_ =	shalt  }
0x79: {  	_ =	shalt  }
0x7a: {  	_ =	shalt  }
0x7b: {  	_ =	shalt  }
0x7c: {  	_ =	shalt  }
0x7d: {  	_ =	shalt  }
0x7e: {  	_ =	shalt  }
0x7f: {  	_ =	shalt  }
0x80: {  	_ =	shalt  }
0x81: {  	_ =	shalt  }
0x82: {  	_ =	shalt  }
0x83: {  	_ =	shalt  }
0x84: {  	_ =	shalt  }
0x85: {  	_ =	shalt  }
0x86: {  	_ =	shalt  }
0x87: {  	_ =	shalt  }
.Lfunc_end0:
.L_simem_size_0:
called_computation_lowered:
.L_overlay_start_0:
0x88: {  	s2 =	sld [smem:$0x3FD9]  }
0x89: {  	s3 =	sld [smem:$0x3FFE];
	_ =	sdelay $0x1  }
0x8a: {  	s1 =	srdreg.scid  }
0x8b: {  	s0 =	sand.u32 $0x1, s1  }
0x8c: {  	s18 =	sshll.u32 s0, $0xA;
	s2 =	sadd.s32 s3, s2  }
0x8d: {  	s2 =	sadd.s32 s2, s18  }
0x8e: {  	[smem:$0x3FC6] =	sst s2  }
0x8f: {  	_ = 	snop  }
0x90: {  	s2 =	sld [smem:$0x3FC9]  }
0x91: {  	s19 =	sld [smem:$0x3FC8]  }
0x92: {  	s4 =	sld [smem:$0x3FD0];
	(tm) =	ssettm $0x1  }
0x93: {  	s5 =	sld [smem:$0x3FFB];
	_ =	sdelay $0x3  }
0x94: {  	_ =	strace s5  }
0x95: {  	s5 =	sld [smem:$0x3FFC];
	_ =	sdelay $0x3  }
0x96: {  	_ =	strace s5  }
0x97: {  	s5 =	sld [smem:$0x3FFD];
	_ =	sdelay $0x3  }
0x98: {  	_ =	strace s5  }
0x99: {  	_ =	strace $0x8FFFFFFF  }
0x9a: {  	s20 =	sld [smem:$0x3FDB];
	_ =	sdelay $0x1  }
0x9b: {  	s6 =	simm.s32 $_scs_section_size  }
0x9c: {  	s7 =	simm.s32 $_size__tile_overlayer_lowered;
	s8 =	simm.s32 $_tile_overlayer_lowered  }
0x9d: {  	s23 =	simm.s32 $0x1BFF;
	s22 =	sshll.u32 s8, $0x1;
	s5 =	sadd.s32 s6, s20  }
0x9e: {  	s9 =	simm.s32 $0x0;
	s21 =	sshll.u32 s7, $0x1;
	s7 =	sadd.s32 s22, s5  }
0x9f: {  	[timem:s9], [sflag:s23] =	dma.local [hbm:s7], s21  }
0xa0: {  	_ =	swait.ge [sflag:s23], s21  }
0xa1: {  	s6 =	ssub.s32 $0x0, s21;
	[sflag:s23] =	ssyncset.done $0x0  }
0xa2: {  	[sflag:s23] =	ssyncadd.s32 s6;
	_ =	sdelay $0x1  }
0xa3: {  	s24 =	simm.s32 $0x1B8B  }
0xa4: {  	_ =	swait.ge [sflag:s24], $0x1  }
0xa5: {  	[sflag:s24] =	ssyncset.done $0x0  }
0xa6: {  	s25 =	simm.s32 $0x1B8E;
	[sflag:s24] =	ssyncadd.s32 $0xFFFFFFFF  }
0xa7: {  	s26 =	simm.s32 $execute0_lowered;
	[smem:$0x3FD2] =	sst s25  }
0xa8: {  	s6 =	sshll.u32 s26, $0x1;
	_ =	strace $0x80000046;
	[dreg:$0x1] =	wrdreg $0xFFFFFFFF  }
0xa9: {  	s28 =	simm.s32 $_size_execute0_lowered;
	s5 =	sadd.s32 s5, s6;
	[dreg:$0x0] =	wrdreg $0x0  }
0xaa: {  	s6 =	sshll.u32 s28, $0x1;
	[dreg:$0x2] =	wrdreg s5  }
0xab: {  	[dreg:$0x3] =	wrdreg s6  }
0xac: {  	[dreg:$0x4] =	wrdreg $0xC0  }
0xad: {  	_ =	task [dreg:s9], $0x5FFFF  }
0xae: {  	[dreg:$0x1] =	wrdreg $0xFFFFFFFF  }
0xaf: {  	[dreg:$0x0] =	wrdreg $0x60  }
0xb0: {  	[dreg:$0x2] =	wrdreg s2  }
0xb1: {  	[dreg:$0x3] =	wrdreg s19  }
0xb2: {  	[dreg:$0x4] =	wrdreg s4  }
0xb3: {  	[dreg:$0x5] =	wrdreg $0x9  }
0xb4: {  	_ =	task.clear_ibuf [dreg:s9], $0x6FFFF;
	_ =	strace $0x90000046  }
0xb5: {  	s29 =	simm.s32 $0x9;
	_ =	strace $0x80000048  }
0xb6: {  	_ =	swait.ge [sflag:s29], $0x1  }
0xb7: {  	[sflag:s29] =	ssyncadd.s32 $0xFFFFFFFF  }
0xb8: {  	_ =	strace $0x90000048  }
0xb9: {  	_ =	sfence  }
0xba: {  	s30 =	sld [smem:$0x0];
	_ =	sdelay $0x2  }
0xbb: {  	s31 =	sshll.u32 s1, $0xD;
	s1 =	sshrl.u32 s1, $0x2  }
0xbc: {  	s3 =	sand.u32 $0x4000, s31;
	s1 =	sadd.s32 s1, s30  }
0xbd: {  	s0 =	sor.u32 s3, s0;
	s1 =	sshll.u32 s1, $0x11  }
0xbe: {  	s0 =	sor.u32 s1, s0  }
0xbf: {  	s0 =	sadd.s32 $0x8F2B, s0  }
0xc0: {  	[sflag:s0] =	ssyncadd.remote.s32 $0x1  }
0xc1: {  	_ =	sfence.sel $0xFFFF  }
0xc2: {  	[dreg:$0x0] =	wrdreg $0xFFFFFFFF;
	(pc) =	sbr.abs _section_cstart, $3  }
0xc3: {  	[dreg:$0x1] =	wrdreg $0xFFFFFFFF  }
0xc4: {  	_ =	task.clear_ibuf [dreg:s9], $0x2FFFF;
	_ =	strace $0x9FFFFFFF  }
0xc5: {  	(tm) =	ssettm $0x7FFFFFFF  }
tec
execute0_lowered:
.L_overlay_start_1:
0x0: {  	(tag) =	ssettag $0x1  }
0x1: {  	s0 =	rddreg [dreg:$0x0]  }
0x2: {  	s1 =	rddreg [dreg:$0x1]  }
0x3: {  	s2 =	rddreg [dreg:$0x2];
	s4 =	srdreg.scid;
	s3 =	simm.s32 $0x0  }
0x4: {  	s11 =	stileid.u32;
	s13 =	simm.s32 $0x11200;
	s14 =	simm.s32 $0x11A00  }
0x5: {  	s15 =	simm.s32 $0x12200;
	s16 =	simm.s32 $0x12A00;
	s17 =	simm.s32 $0x13200  }
0x6: {  	s28 =	simm.s32 $0x8200;
	[smem:$0x7FF] =	sst s3;
	s6 =	sshll.u32 s11, $0x1  }
0x7: {  	s9 =	sshrl.u32 s11, $0x2;
	s20 =	sand.u32 $0x3, s11;
	s11 =	simm.s32 $0x10A00  }
0x8: {  	s30 =	simm.s32 $0x10200;
	_ =	strace $0x80000047;
	[dreg:$0x7] =	wrdreg s11  }
0x9: {  	s31 =	simm.s32 $0x1;
	s4 =	sand.u32 $0x1, s4;
	[dreg:$0x8] =	wrdreg s13  }
0xa: {  	s29 =	simm.s32 $0x7A00;
	s5 =	ssub.s32 $0x2, s4;
	[dreg:$0x9] =	wrdreg s14  }
0xb: {  	s6 =	sand.u32 $0x6, s6;
	s19 =	sshll.u32 s9, $0x4;
	[dreg:$0xa] =	wrdreg s15  }
0xc: {  	s21 =	sshll.u32 s9, $0x16;
	s23 =	sshll.u32 s9, $0x13;
	[dreg:$0xb] =	wrdreg s16  }
0xd: {  	s11 =	simm.s32 $0x200;
	s13 =	simm.s32 $0x1200;
	[dreg:$0xc] =	wrdreg s17  }
0xe: {  	s14 =	simm.s32 $0x1A00;
	s15 =	simm.s32 $0x2200;
	s16 =	simm.s32 $0x2A00  }
0xf: {  	s17 =	simm.s32 $0x3200;
	s7 =	sshrl.u32 s5, $0x1;
	s10 =	sor.u32 s4, s6  }
0x10: {  	s0 =	sadd.s32 s0, s19;
	s4 =	sshll.u32 s4, $0x13;
	s6 =	sadd.s32 $0x200, s1  }
0x11: {  	s19 =	simm.s32 $0x14200;
	s8 =	ssub.s32 s5, s7;
	s18 =	sshll.u32 s10, $0x8  }
0x12: {  	s7 =	sshll.u32 s20, $0x14;
	s5 =	sadd.s32 $0x100, s1;
	s10 =	sshll.u32 s10, $0x10  }
0x13: {  	[dreg:$0xe] =	wrdreg s19;
	s20 =	simm.s32 $0x14A00;
	s19 =	simm.s32 $0x4200  }
0x14: {  	s0 =	sadd.s32 s18, s0;
	s22 =	sor.u32 s7, s21;
	[dreg:$0xf] =	wrdreg s20  }
0x15: {  	s7 =	sadd.s32 $0x300, s1;
	s12 =	smax.u32 s8, $0x1;
	[dreg:$0x16] =	wrdreg s0  }
0x16: {  	s18 =	simm.s32 $0x13A00;
	s21 =	simm.s32 $0x15200;
	[dreg:$0x18] =	wrdreg s12  }
0x17: {  	s20 =	simm.s32 $0x4A00;
	s0 =	sor.u32 s4, s22;
	[dreg:$0xd] =	wrdreg s18  }
0x18: {  	s4 =	sadd.s32 s23, s2;
	s12 =	simm.s32 $0xA00;
	[dreg:$0x10] =	wrdreg s21  }
0x19: {  	s22 =	simm.s32 $0x15A00;
	s18 =	simm.s32 $0x3A00;
	s23 =	simm.s32 $0x16200  }
0x1a: {  	s21 =	simm.s32 $0x5200;
	s24 =	sor.u32 $0x8000, s0;
	s25 =	sshrl.u32 s0, $0x3  }
0x1b: {  	s0 =	sor.u32 $0x10000, s0;
	s4 =	sadd.s32 s10, s4;
	[dreg:$0x11] =	wrdreg s22  }
0x1c: {  	[dreg:$0x12] =	wrdreg s23;
	s22 =	simm.s32 $0x5A00;
	s26 =	sadd.s32 s25, s2  }
0x1d: {  	s23 =	simm.s32 $0x6200;
	s10 =	sadd.s32 $0xF000, s4;
	[dreg:$0x5] =	wrdreg s26  }
0x1e: {  	s9 =	sshrl.u32 s24, $0x3;
	s24 =	simm.s32 $0x16A00;
	[dreg:$0x17] =	wrdreg s10  }
0x1f: {  	s0 =	sshrl.u32 s0, $0x3;
	s25 =	simm.s32 $0x17200;
	[dreg:$0x13] =	wrdreg s24  }
0x20: {  	s4 =	simm.s32 $0x3;
	s9 =	sadd.s32 s9, s2;
	[dreg:$0x14] =	wrdreg s25  }
0x21: {  	s0 =	sadd.s32 s0, s2;
	s26 =	simm.s32 $0x17A00;
	[dreg:$0x4] =	wrdreg s9  }
0x22: {  	v2 =	vlaneseq.u32;
	s24 =	simm.s32 $0x6A00;
	s25 =	simm.s32 $0x7200;
	[dreg:$0x6] =	wrdreg s0  }
0x23: {  	vm0 =	vmmov $0xffff;
	v1 =	vshrl.u32 v2, $0x3;
	s2 =	simm.s32 $0x2;
	s10 =	simm.s32 $0x5;
	[dreg:$0x15] =	wrdreg s26  }
0x24: {  	v0 =	vand.u32 $0x7, v2;
	v2 =	vor.u32 $0x8, v2;
	v1 =	vmul.u32 $0x8, v1;
	s26 =	simm.s32 $0x7A00;
	s0 =	simm.s32 $0x4;
	s9 =	simm.s32 $0x0  }
.LBB2_1:
0x25: {  	[dreg:$0x19] =	wrdreg s9  }
0x26: {  	s8 =	rddreg [dreg:$0x16];
	s9 =	simm.s32 $0x80  }
0x27: {  	[tilespmem:s3], [sflag:$0x7] =	stream.strided.gather [hbm4b:s8+s9], $0x200, s11, s9, $0x38;
	[tilespmem:$0x18200] =	vst v63  }
0x28: {  	s9 =	simm.s32 $0x7  }
0x29: {  	_ =	swait.ge [sflag:s9], $0x200  }
0x2a: {  	[sflag:s9] =	ssyncset.done $0x0  }
0x2b: {  	[sflag:s9] =	ssyncadd.s32 $0xFFFFFE00  }
0x2c: {  	v3 =	vld [tilespmem:$0x0];
	_ =	sdelay $0x4  }
0x2d: {  	v4 =	vshll.u32 v3, $0x3  }
0x2e: {  	v3 =	vand.u32 $0x7, v3;
	v4 =	vand.u32 $0xFFFFFFC0, v4  }
0x2f: {  	v3 =	vor.u32 v3, v4  }
0x30: {  	v4 =	vperm.xlane v3, v0;
	_ =	sdelay $0x1  }
0x31: {  	v4 =	vadd.s32 v1, v4;
	_ =	sdelay $0x4  }
0x32: {  	[tilespmem:s11], [sflag:$0x1] =	stream.indirect_vreg.gather [hbm4b:s1+s3], $0x80, v4, vm0, $0xb8;
	[tilespmem:$0x18200] =	vst v63  }
0x33: {  	v3 =	vperm.xlane v3, v2  }
0x34: {  	[tilespmem:s12], [sflag:$0x1] =	stream.indirect_vreg.gather [hbm4b:s5+s3], $0x80, v4, vm0, $0xb8;
	[tilespmem:$0x18200] =	vst v63  }
0x35: {  	v3 =	vadd.s32 v1, v3  }
0x36: {  	[tilespmem:s13], [sflag:$0x1] =	stream.indirect_vreg.gather [hbm4b:s6+s3], $0x80, v4, vm0, $0xb8;
	[tilespmem:$0x18200] =	vst v63  }
0x37: {  	_ = 	snop  }
0x38: {  	[tilespmem:s14], [sflag:$0x1] =	stream.indirect_vreg.gather [hbm4b:s7+s3], $0x80, v4, vm0, $0xb8;
	[tilespmem:$0x18200] =	vst v63  }
0x39: {  	_ = 	snop  }
0x3a: {  	[tilespmem:s15], [sflag:$0x1] =	stream.indirect_vreg.gather [hbm4b:s1+s3], $0x80, v3, vm0, $0xb8;
	[tilespmem:$0x18200] =	vst v63  }
0x3b: {  	_ = 	snop  }
0x3c: {  	[tilespmem:s16], [sflag:$0x1] =	stream.indirect_vreg.gather [hbm4b:s5+s3], $0x80, v3, vm0, $0xb8;
	[tilespmem:$0x18200] =	vst v63  }
0x3d: {  	_ = 	snop  }
0x3e: {  	[tilespmem:s17], [sflag:$0x1] =	stream.indirect_vreg.gather [hbm4b:s6+s3], $0x80, v3, vm0, $0xb8;
	[tilespmem:$0x18200] =	vst v63  }
0x3f: {  	_ = 	snop  }
0x40: {  	[tilespmem:s18], [sflag:$0x1] =	stream.indirect_vreg.gather [hbm4b:s7+s3], $0x80, v3, vm0, $0xb8;
	[tilespmem:$0x18200] =	vst v63  }
0x41: {  	v3 =	vld [tilespmem:$0x10];
	_ =	sdelay $0x4  }
0x42: {  	v61 =	vshll.u32 v3, $0x3  }
0x43: {  	v3 =	vand.u32 $0x7, v3;
	v4 =	vand.u32 $0xFFFFFFC0, v61  }
0x44: {  	v3 =	vor.u32 v3, v4  }
0x45: {  	v4 =	vperm.xlane v3, v0;
	_ =	sdelay $0x1  }
0x46: {  	v4 =	vadd.s32 v1, v4;
	_ =	sdelay $0x4  }
0x47: {  	[tilespmem:s19], [sflag:$0x1] =	stream.indirect_vreg.gather [hbm4b:s1+s3], $0x80, v4, vm0, $0xb8;
	[tilespmem:$0x18200] =	vst v63  }
0x48: {  	v3 =	vperm.xlane v3, v2  }
0x49: {  	[tilespmem:s20], [sflag:$0x1] =	stream.indirect_vreg.gather [hbm4b:s5+s3], $0x80, v4, vm0, $0xb8;
	[tilespmem:$0x18200] =	vst v63  }
0x4a: {  	v3 =	vadd.s32 v1, v3  }
0x4b: {  	[tilespmem:s21], [sflag:$0x1] =	stream.indirect_vreg.gather [hbm4b:s6+s3], $0x80, v4, vm0, $0xb8;
	[tilespmem:$0x18200] =	vst v63  }
0x4c: {  	_ = 	snop  }
0x4d: {  	[tilespmem:s22], [sflag:$0x1] =	stream.indirect_vreg.gather [hbm4b:s7+s3], $0x80, v4, vm0, $0xb8;
	[tilespmem:$0x18200] =	vst v63  }
0x4e: {  	_ = 	snop  }
0x4f: {  	[tilespmem:s23], [sflag:$0x1] =	stream.indirect_vreg.gather [hbm4b:s1+s3], $0x80, v3, vm0, $0xb8;
	[tilespmem:$0x18200] =	vst v63  }
0x50: {  	_ = 	snop  }
0x51: {  	[tilespmem:s24], [sflag:$0x1] =	stream.indirect_vreg.gather [hbm4b:s5+s3], $0x80, v3, vm0, $0xb8;
	[tilespmem:$0x18200] =	vst v63  }
0x52: {  	_ = 	snop  }
0x53: {  	[tilespmem:s25], [sflag:$0x1] =	stream.indirect_vreg.gather [hbm4b:s6+s3], $0x80, v3, vm0, $0xb8;
	[tilespmem:$0x18200] =	vst v63  }
0x54: {  	_ = 	snop  }
0x55: {  	[tilespmem:s26], [sflag:$0x1] =	stream.indirect_vreg.gather [hbm4b:s7+s3], $0x80, v3, vm0, $0xb8;
	[tilespmem:$0x18200] =	vst v63  }
0x56: {  	v3 =	vld [tilespmem:$0x20];
	_ =	sdelay $0x4  }
0x57: {  	v62 =	vshll.u32 v3, $0x3  }
0x58: {  	v3 =	vand.u32 $0x7, v3;
	v4 =	vand.u32 $0xFFFFFFC0, v62  }
0x59: {  	v3 =	vor.u32 v3, v4  }
0x5a: {  	v4 =	vperm.xlane v3, v0;
	_ =	sdelay $0x1  }
0x5b: {  	v4 =	vadd.s32 v1, v4;
	_ =	sdelay $0x4  }
0x5c: {  	[tilespmem:s28], [sflag:$0x2] =	stream.indirect_vreg.gather [hbm4b:s1+s3], $0x80, v4, vm0, $0xb8;
	[tilespmem:$0x18200] =	vst v63  }
0x5d: {  	s12 =	simm.s32 $0x8A00;
	v3 =	vperm.xlane v3, v2  }
0x5e: {  	[tilespmem:s12], [sflag:$0x2] =	stream.indirect_vreg.gather [hbm4b:s5+s3], $0x80, v4, vm0, $0xb8;
	[tilespmem:$0x18200] =	vst v63  }
0x5f: {  	s13 =	simm.s32 $0x9200;
	v3 =	vadd.s32 v1, v3  }
0x60: {  	[tilespmem:s13], [sflag:$0x2] =	stream.indirect_vreg.gather [hbm4b:s6+s3], $0x80, v4, vm0, $0xb8;
	[tilespmem:$0x18200] =	vst v63  }
0x61: {  	s14 =	simm.s32 $0x9A00  }
0x62: {  	[tilespmem:s14], [sflag:$0x2] =	stream.indirect_vreg.gather [hbm4b:s7+s3], $0x80, v4, vm0, $0xb8;
	[tilespmem:$0x18200] =	vst v63  }
0x63: {  	s15 =	simm.s32 $0xA200  }
0x64: {  	[tilespmem:s15], [sflag:$0x2] =	stream.indirect_vreg.gather [hbm4b:s1+s3], $0x80, v3, vm0, $0xb8;
	[tilespmem:$0x18200] =	vst v63  }
0x65: {  	s16 =	simm.s32 $0xAA00  }
0x66: {  	[tilespmem:s16], [sflag:$0x2] =	stream.indirect_vreg.gather [hbm4b:s5+s3], $0x80, v3, vm0, $0xb8;
	[tilespmem:$0x18200] =	vst v63  }
0x67: {  	s17 =	simm.s32 $0xB200  }
0x68: {  	[tilespmem:s17], [sflag:$0x2] =	stream.indirect_vreg.gather [hbm4b:s6+s3], $0x80, v3, vm0, $0xb8;
	[tilespmem:$0x18200] =	vst v63  }
0x69: {  	s18 =	simm.s32 $0xBA00  }
0x6a: {  	[tilespmem:s18], [sflag:$0x2] =	stream.indirect_vreg.gather [hbm4b:s7+s3], $0x80, v3, vm0, $0xb8;
	[tilespmem:$0x18200] =	vst v63  }
0x6b: {  	v3 =	vld [tilespmem:$0x30];
	_ =	sdelay $0x4  }
0x6c: {  	v63 =	vshll.u32 v3, $0x3  }
0x6d: {  	v3 =	vand.u32 $0x7, v3;
	v4 =	vand.u32 $0xFFFFFFC0, v63  }
0x6e: {  	v3 =	vor.u32 v3, v4  }
0x6f: {  	v4 =	vperm.xlane v3, v0;
	_ =	sdelay $0x1  }
0x70: {  	v4 =	vadd.s32 v1, v4;
	_ =	sdelay $0x3  }
0x71: {  	s19 =	simm.s32 $0xC200  }
0x72: {  	[tilespmem:s19], [sflag:$0x2] =	stream.indirect_vreg.gather [hbm4b:s1+s3], $0x80, v4, vm0, $0xb8;
	[tilespmem:$0x18200] =	vst v63  }
0x73: {  	s8 =	simm.s32 $0x0;
	s20 =	simm.s32 $0xCA00;
	v3 =	vperm.xlane v3, v2  }
0x74: {  	[tilespmem:s20], [sflag:$0x2] =	stream.indirect_vreg.gather [hbm4b:s5+s3], $0x80, v4, vm0, $0xb8;
	[tilespmem:$0x18200] =	vst v63  }
0x75: {  	s21 =	simm.s32 $0xD200;
	s22 =	simm.s32 $0xDA00;
	s23 =	simm.s32 $0xE200;
	v3 =	vadd.s32 v1, v3  }
0x76: {  	[tilespmem:s21], [sflag:$0x2] =	stream.indirect_vreg.gather [hbm4b:s6+s3], $0x80, v4, vm0, $0xb8;
	[tilespmem:$0x18200] =	vst v63  }
0x77: {  	s24 =	simm.s32 $0xEA00;
	s25 =	simm.s32 $0xF200;
	s26 =	simm.s32 $0xFA00  }
0x78: {  	[tilespmem:s22], [sflag:$0x2] =	stream.indirect_vreg.gather [hbm4b:s7+s3], $0x80, v4, vm0, $0xb8;
	[tilespmem:$0x18200] =	vst v63  }
0x79: {  	s28 =	simm.s32 $0x7200;
	s12 =	simm.s32 $0x90;
	s14 =	simm.s32 $0xA00  }
0x7a: {  	[tilespmem:s23], [sflag:$0x2] =	stream.indirect_vreg.gather [hbm4b:s1+s3], $0x80, v3, vm0, $0xb8;
	[tilespmem:$0x18200] =	vst v63  }
0x7b: {  	s15 =	simm.s32 $0x1200;
	s16 =	simm.s32 $0x8200;
	s17 =	simm.s32 $0x2200  }
0x7c: {  	[tilespmem:s24], [sflag:$0x2] =	stream.indirect_vreg.gather [hbm4b:s5+s3], $0x80, v3, vm0, $0xb8;
	[tilespmem:$0x18200] =	vst v63  }
0x7d: {  	s18 =	simm.s32 $0x2A00;
	s19 =	simm.s32 $0x3200;
	s20 =	simm.s32 $0x3A00  }
0x7e: {  	[tilespmem:s25], [sflag:$0x2] =	stream.indirect_vreg.gather [hbm4b:s6+s3], $0x80, v3, vm0, $0xb8;
	[tilespmem:$0x18200] =	vst v63  }
0x7f: {  	s21 =	simm.s32 $0x4200;
	s22 =	simm.s32 $0x4A00;
	s23 =	simm.s32 $0x5200  }
0x80: {  	[tilespmem:s26], [sflag:$0x2] =	stream.indirect_vreg.gather [hbm4b:s7+s3], $0x80, v3, vm0, $0xb8;
	[tilespmem:$0x18200] =	vst v63  }
0x81: {  	s24 =	simm.s32 $0x5A00;
	s25 =	simm.s32 $0x6200;
	s26 =	simm.s32 $0x6A00  }
.LBB2_2:
0x82: {  	p0 =	seq.s32 s8, $0x0  }
0x83: {  	s9 =	simm.s32 @!p0 $0x6  }
0x84: {  	_ =	swait.ge @!p0 [sflag:s9], $0x8000  }
0x85: {  	[sflag:s9] =	ssyncset.done @!p0 $0x0  }
0x86: {  	[sflag:s9] =	ssyncadd.s32 @!p0 $0xFFFF8000  }
0x87: {  	v3 =	vld [tilespmem:s12+$0xFFFFFFB0];
	_ =	sdelay $0x4  }
0x88: {  	v4 =	vshll.u32 v3, $0x3  }
0x89: {  	v3 =	vand.u32 $0x7, v3;
	v4 =	vand.u32 $0xFFFFFFC0, v4  }
0x8a: {  	v3 =	vor.u32 v3, v4  }
0x8b: {  	v4 =	vperm.xlane v3, v0;
	_ =	sdelay $0x1  }
0x8c: {  	v4 =	vadd.s32 v1, v4;
	_ =	sdelay $0x4  }
0x8d: {  	[tilespmem:s30], [sflag:$0x3] =	stream.indirect_vreg.gather [hbm4b:s1+s3], $0x80, v4, vm0, $0xb8;
	[tilespmem:$0x18200] =	vst v63  }
0x8e: {  	s9 =	rddreg [dreg:$0x7];
	v3 =	vperm.xlane v3, v2  }
0x8f: {  	[tilespmem:s9], [sflag:$0x3] =	stream.indirect_vreg.gather [hbm4b:s5+s3], $0x80, v4, vm0, $0xb8;
	[tilespmem:$0x18200] =	vst v63  }
0x90: {  	s13 =	rddreg [dreg:$0x8];
	v3 =	vadd.s32 v1, v3  }
0x91: {  	[tilespmem:s13], [sflag:$0x3] =	stream.indirect_vreg.gather [hbm4b:s6+s3], $0x80, v4, vm0, $0xb8;
	[tilespmem:$0x18200] =	vst v63  }
0x92: {  	s9 =	rddreg [dreg:$0x9]  }
0x93: {  	[tilespmem:s9], [sflag:$0x3] =	stream.indirect_vreg.gather [hbm4b:s7+s3], $0x80, v4, vm0, $0xb8;
	[tilespmem:$0x18200] =	vst v63  }
0x94: {  	s13 =	rddreg [dreg:$0xa]  }
0x95: {  	[tilespmem:s13], [sflag:$0x3] =	stream.indirect_vreg.gather [hbm4b:s1+s3], $0x80, v3, vm0, $0xb8;
	[tilespmem:$0x18200] =	vst v63  }
0x96: {  	s9 =	rddreg [dreg:$0xb]  }
0x97: {  	[tilespmem:s9], [sflag:$0x3] =	stream.indirect_vreg.gather [hbm4b:s5+s3], $0x80, v3, vm0, $0xb8;
	[tilespmem:$0x18200] =	vst v63  }
0x98: {  	s13 =	rddreg [dreg:$0xc]  }
0x99: {  	[tilespmem:s13], [sflag:$0x3] =	stream.indirect_vreg.gather [hbm4b:s6+s3], $0x80, v3, vm0, $0xb8;
	[tilespmem:$0x18200] =	vst v63  }
0x9a: {  	s9 =	rddreg [dreg:$0xd]  }
0x9b: {  	[tilespmem:s9], [sflag:$0x3] =	stream.indirect_vreg.gather [hbm4b:s7+s3], $0x80, v3, vm0, $0xb8;
	[tilespmem:$0x18200] =	vst v63  }
0x9c: {  	v3 =	vld [tilespmem:s12+$0xFFFFFFC0];
	_ =	sdelay $0x4  }
0x9d: {  	v61 =	vshll.u32 v3, $0x3  }
0x9e: {  	v3 =	vand.u32 $0x7, v3;
	v4 =	vand.u32 $0xFFFFFFC0, v61  }
0x9f: {  	v3 =	vor.u32 v3, v4  }
0xa0: {  	v4 =	vperm.xlane v3, v0;
	_ =	sdelay $0x1  }
0xa1: {  	v4 =	vadd.s32 v1, v4;
	_ =	sdelay $0x3  }
0xa2: {  	s9 =	rddreg [dreg:$0xe]  }
0xa3: {  	[tilespmem:s9], [sflag:$0x3] =	stream.indirect_vreg.gather [hbm4b:s1+s3], $0x80, v4, vm0, $0xb8;
	[tilespmem:$0x18200] =	vst v63  }
0xa4: {  	s13 =	rddreg [dreg:$0xf];
	v3 =	vperm.xlane v3, v2  }
0xa5: {  	[tilespmem:s13], [sflag:$0x3] =	stream.indirect_vreg.gather [hbm4b:s5+s3], $0x80, v4, vm0, $0xb8;
	[tilespmem:$0x18200] =	vst v63  }
0xa6: {  	v3 =	vadd.s32 v1, v3;
	s9 =	rddreg [dreg:$0x10]  }
0xa7: {  	[tilespmem:s9], [sflag:$0x3] =	stream.indirect_vreg.gather [hbm4b:s6+s3], $0x80, v4, vm0, $0xb8;
	[tilespmem:$0x18200] =	vst v63  }
0xa8: {  	s13 =	rddreg [dreg:$0x11]  }
0xa9: {  	[tilespmem:s13], [sflag:$0x3] =	stream.indirect_vreg.gather [hbm4b:s7+s3], $0x80, v4, vm0, $0xb8;
	[tilespmem:$0x18200] =	vst v63  }
0xaa: {  	s9 =	rddreg [dreg:$0x12]  }
0xab: {  	[tilespmem:s9], [sflag:$0x3] =	stream.indirect_vreg.gather [hbm4b:s1+s3], $0x80, v3, vm0, $0xb8;
	[tilespmem:$0x18200] =	vst v63  }
0xac: {  	s13 =	rddreg [dreg:$0x13]  }
0xad: {  	[tilespmem:s13], [sflag:$0x3] =	stream.indirect_vreg.gather [hbm4b:s5+s3], $0x80, v3, vm0, $0xb8;
	[tilespmem:$0x18200] =	vst v63  }
0xae: {  	s9 =	rddreg [dreg:$0x14]  }
0xaf: {  	[tilespmem:s9], [sflag:$0x3] =	stream.indirect_vreg.gather [hbm4b:s6+s3], $0x80, v3, vm0, $0xb8;
	[tilespmem:$0x18200] =	vst v63  }
0xb0: {  	s13 =	rddreg [dreg:$0x15]  }
0xb1: {  	[tilespmem:s13], [sflag:$0x3] =	stream.indirect_vreg.gather [hbm4b:s7+s3], $0x80, v3, vm0, $0xb8;
	[tilespmem:$0x18200] =	vst v63  }
0xb2: {  	_ =	swait.ge [sflag:s31], $0x8000  }
0xb3: {  	s13 =	rddreg [dreg:$0x5];
	[sflag:s31] =	ssyncset.done $0x0  }
0xb4: {  	[sflag:s31] =	ssyncadd.s32 $0xFFFF8000;
	s9 =	sadd.s32 s8, s13  }
0xb5: {  	[hbm4b:s9+s3] =	stream.linear.scatter [tilespmem:s11], [sflag:$0x4], $0x8000, $0x38;
	[tilespmem:$0x18200] =	vst v63  }
0xb6: {  	_ =	swait.ge [sflag:s0], $0x8000  }
0xb7: {  	[sflag:s0] =	ssyncset.done $0x0  }
0xb8: {  	[sflag:s0] =	ssyncadd.s32 $0xFFFF8000  }
0xb9: {  	v3 =	vld [tilespmem:s12+$0xFFFFFFD0];
	_ =	sdelay $0x4  }
0xba: {  	v62 =	vshll.u32 v3, $0x3  }
0xbb: {  	v3 =	vand.u32 $0x7, v3;
	v4 =	vand.u32 $0xFFFFFFC0, v62  }
0xbc: {  	v3 =	vor.u32 v3, v4  }
0xbd: {  	v4 =	vperm.xlane v3, v0;
	_ =	sdelay $0x1  }
0xbe: {  	v4 =	vadd.s32 v1, v4;
	_ =	sdelay $0x4  }
0xbf: {  	[tilespmem:s11], [sflag:$0x1] =	stream.indirect_vreg.gather [hbm4b:s1+s3], $0x80, v4, vm0, $0xb8;
	[tilespmem:$0x18200] =	vst v63  }
0xc0: {  	v3 =	vperm.xlane v3, v2  }
0xc1: {  	[tilespmem:s14], [sflag:$0x1] =	stream.indirect_vreg.gather [hbm4b:s5+s3], $0x80, v4, vm0, $0xb8;
	[tilespmem:$0x18200] =	vst v63  }
0xc2: {  	v3 =	vadd.s32 v1, v3  }
0xc3: {  	[tilespmem:s15], [sflag:$0x1] =	stream.indirect_vreg.gather [hbm4b:s6+s3], $0x80, v4, vm0, $0xb8;
	[tilespmem:$0x18200] =	vst v63  }
0xc4: {  	s13 =	simm.s32 $0x1A00  }
0xc5: {  	[tilespmem:s13], [sflag:$0x1] =	stream.indirect_vreg.gather [hbm4b:s7+s3], $0x80, v4, vm0, $0xb8;
	[tilespmem:$0x18200] =	vst v63  }
0xc6: {  	_ = 	snop  }
0xc7: {  	[tilespmem:s17], [sflag:$0x1] =	stream.indirect_vreg.gather [hbm4b:s1+s3], $0x80, v3, vm0, $0xb8;
	[tilespmem:$0x18200] =	vst v63  }
0xc8: {  	_ = 	snop  }
0xc9: {  	[tilespmem:s18], [sflag:$0x1] =	stream.indirect_vreg.gather [hbm4b:s5+s3], $0x80, v3, vm0, $0xb8;
	[tilespmem:$0x18200] =	vst v63  }
0xca: {  	_ = 	snop  }
0xcb: {  	[tilespmem:s19], [sflag:$0x1] =	stream.indirect_vreg.gather [hbm4b:s6+s3], $0x80, v3, vm0, $0xb8;
	[tilespmem:$0x18200] =	vst v63  }
0xcc: {  	_ = 	snop  }
0xcd: {  	[tilespmem:s20], [sflag:$0x1] =	stream.indirect_vreg.gather [hbm4b:s7+s3], $0x80, v3, vm0, $0xb8;
	[tilespmem:$0x18200] =	vst v63  }
0xce: {  	v3 =	vld [tilespmem:s12+$0xFFFFFFE0];
	_ =	sdelay $0x4  }
0xcf: {  	v63 =	vshll.u32 v3, $0x3  }
0xd0: {  	v3 =	vand.u32 $0x7, v3;
	v4 =	vand.u32 $0xFFFFFFC0, v63  }
0xd1: {  	v3 =	vor.u32 v3, v4  }
0xd2: {  	v4 =	vperm.xlane v3, v0;
	_ =	sdelay $0x1  }
0xd3: {  	v4 =	vadd.s32 v1, v4;
	_ =	sdelay $0x4  }
0xd4: {  	[tilespmem:s21], [sflag:$0x1] =	stream.indirect_vreg.gather [hbm4b:s1+s3], $0x80, v4, vm0, $0xb8;
	[tilespmem:$0x18200] =	vst v63  }
0xd5: {  	v3 =	vperm.xlane v3, v2  }
0xd6: {  	[tilespmem:s22], [sflag:$0x1] =	stream.indirect_vreg.gather [hbm4b:s5+s3], $0x80, v4, vm0, $0xb8;
	[tilespmem:$0x18200] =	vst v63  }
0xd7: {  	v3 =	vadd.s32 v1, v3  }
0xd8: {  	[tilespmem:s23], [sflag:$0x1] =	stream.indirect_vreg.gather [hbm4b:s6+s3], $0x80, v4, vm0, $0xb8;
	[tilespmem:$0x18200] =	vst v63  }
0xd9: {  	_ = 	snop  }
0xda: {  	[tilespmem:s24], [sflag:$0x1] =	stream.indirect_vreg.gather [hbm4b:s7+s3], $0x80, v4, vm0, $0xb8;
	[tilespmem:$0x18200] =	vst v63  }
0xdb: {  	_ = 	snop  }
0xdc: {  	[tilespmem:s25], [sflag:$0x1] =	stream.indirect_vreg.gather [hbm4b:s1+s3], $0x80, v3, vm0, $0xb8;
	[tilespmem:$0x18200] =	vst v63  }
0xdd: {  	_ = 	snop  }
0xde: {  	[tilespmem:s26], [sflag:$0x1] =	stream.indirect_vreg.gather [hbm4b:s5+s3], $0x80, v3, vm0, $0xb8;
	[tilespmem:$0x18200] =	vst v63  }
0xdf: {  	_ = 	snop  }
0xe0: {  	[tilespmem:s28], [sflag:$0x1] =	stream.indirect_vreg.gather [hbm4b:s6+s3], $0x80, v3, vm0, $0xb8;
	[tilespmem:$0x18200] =	vst v63  }
0xe1: {  	_ = 	snop  }
0xe2: {  	[tilespmem:s29], [sflag:$0x1] =	stream.indirect_vreg.gather [hbm4b:s7+s3], $0x80, v3, vm0, $0xb8;
	[tilespmem:$0x18200] =	vst v63  }
0xe3: {  	_ =	swait.ge [sflag:s2], $0x8000  }
0xe4: {  	s13 =	rddreg [dreg:$0x4];
	[sflag:s2] =	ssyncset.done $0x0  }
0xe5: {  	[sflag:s2] =	ssyncadd.s32 $0xFFFF8000;
	s9 =	sadd.s32 s8, s13  }
0xe6: {  	[hbm4b:s9+s3] =	stream.linear.scatter [tilespmem:s16], [sflag:$0x5], $0x8000, $0x38;
	[tilespmem:$0x18200] =	vst v63  }
0xe7: {  	_ =	swait.ge [sflag:s10], $0x8000  }
0xe8: {  	[sflag:s10] =	ssyncset.done $0x0  }
0xe9: {  	p0 =	seq.s32 s8, $0xC000;
	[sflag:s10] =	ssyncadd.s32 $0xFFFF8000  }
0xea: {  	v3 =	vld @!p0 [tilespmem:s12+$0xFFFFFFF0];
	_ =	sdelay $0x4  }
0xeb: {  	v4 =	vshll.u32 @!p0 v3, $0x3  }
0xec: {  	v5 =	vlaneseq.u32 @!p0;
	v3 =	vand.u32 @!p0 $0x7, v3;
	v4 =	vand.u32 @!p0 $0xFFFFFFC0, v4  }
0xed: {  	v6 =	vshrl.u32 @!p0 v5, $0x3;
	v3 =	vor.u32 @!p0 v3, v4;
	v4 =	vand.u32 @!p0 $0x7, v5  }
0xee: {  	v6 =	vmul.u32 @!p0 $0x8, v6;
	v7 =	vperm.xlane @!p0 v3, v4;
	_ =	sdelay $0x1  }
0xef: {  	v7 =	vadd.s32 @!p0 v6, v7;
	_ =	sdelay $0x3  }
0xf0: {  	vm1 =	vmmov @!p0 $0xffff;
	s13 =	simm.s32 @!p0 $0x8200;
	s9 =	simm.s32 @!p0 $0x0  }
0xf1: {  	v5 =	vor.u32 @!p0 $0x8, v5;
	[tilespmem:s13], [sflag:$0x2] =	stream.indirect_vreg.gather @!p0 [hbm4b:s1+s9], $0x80, v7, vm1, $0xb8;
	[tilespmem:$0x18200] =	vst v63  }
0xf2: {  	v3 =	vperm.xlane @!p0 v3, v5;
	s13 =	simm.s32 @!p0 $0x8A00  }
0xf3: {  	[tilespmem:s13], [sflag:$0x2] =	stream.indirect_vreg.gather @!p0 [hbm4b:s5+s9], $0x80, v7, vm1, $0xb8;
	[tilespmem:$0x18200] =	vst v63  }
0xf4: {  	v3 =	vadd.s32 @!p0 v6, v3;
	s13 =	simm.s32 @!p0 $0x9200  }
0xf5: {  	[tilespmem:s13], [sflag:$0x2] =	stream.indirect_vreg.gather @!p0 [hbm4b:s6+s9], $0x80, v7, vm1, $0xb8;
	[tilespmem:$0x18200] =	vst v63  }
0xf6: {  	s13 =	simm.s32 @!p0 $0x9A00  }
0xf7: {  	[tilespmem:s13], [sflag:$0x2] =	stream.indirect_vreg.gather @!p0 [hbm4b:s7+s9], $0x80, v7, vm1, $0xb8;
	[tilespmem:$0x18200] =	vst v63  }
0xf8: {  	s13 =	simm.s32 @!p0 $0xA200  }
0xf9: {  	[tilespmem:s13], [sflag:$0x2] =	stream.indirect_vreg.gather @!p0 [hbm4b:s1+s9], $0x80, v3, vm1, $0xb8;
	[tilespmem:$0x18200] =	vst v63  }
0xfa: {  	s13 =	simm.s32 @!p0 $0xAA00  }
0xfb: {  	[tilespmem:s13], [sflag:$0x2] =	stream.indirect_vreg.gather @!p0 [hbm4b:s5+s9], $0x80, v3, vm1, $0xb8;
	[tilespmem:$0x18200] =	vst v63  }
0xfc: {  	s13 =	simm.s32 @!p0 $0xB200  }
0xfd: {  	[tilespmem:s13], [sflag:$0x2] =	stream.indirect_vreg.gather @!p0 [hbm4b:s6+s9], $0x80, v3, vm1, $0xb8;
	[tilespmem:$0x18200] =	vst v63  }
0xfe: {  	s13 =	simm.s32 @!p0 $0xBA00  }
0xff: {  	[tilespmem:s13], [sflag:$0x2] =	stream.indirect_vreg.gather @!p0 [hbm4b:s7+s9], $0x80, v3, vm1, $0xb8;
	[tilespmem:$0x18200] =	vst v63  }
0x100: {  	v3 =	vld @!p0 [tilespmem:s12+$0x0];
	_ =	sdelay $0x4  }
0x101: {  	v7 =	vshll.u32 @!p0 v3, $0x3  }
0x102: {  	v3 =	vand.u32 @!p0 $0x7, v3;
	v7 =	vand.u32 @!p0 $0xFFFFFFC0, v7  }
0x103: {  	v3 =	vor.u32 @!p0 v3, v7  }
0x104: {  	v4 =	vperm.xlane @!p0 v3, v4;
	_ =	sdelay $0x1  }
0x105: {  	v4 =	vadd.s32 @!p0 v6, v4;
	_ =	sdelay $0x3  }
0x106: {  	s13 =	simm.s32 @!p0 $0xC200  }
0x107: {  	[tilespmem:s13], [sflag:$0x2] =	stream.indirect_vreg.gather @!p0 [hbm4b:s1+s9], $0x80, v4, vm1, $0xb8;
	[tilespmem:$0x18200] =	vst v63  }
0x108: {  	v3 =	vperm.xlane @!p0 v3, v5;
	s13 =	simm.s32 @!p0 $0xCA00  }
0x109: {  	[tilespmem:s13], [sflag:$0x2] =	stream.indirect_vreg.gather @!p0 [hbm4b:s5+s9], $0x80, v4, vm1, $0xb8;
	[tilespmem:$0x18200] =	vst v63  }
0x10a: {  	v3 =	vadd.s32 @!p0 v6, v3;
	s13 =	simm.s32 @!p0 $0xD200  }
0x10b: {  	[tilespmem:s13], [sflag:$0x2] =	stream.indirect_vreg.gather @!p0 [hbm4b:s6+s9], $0x80, v4, vm1, $0xb8;
	[tilespmem:$0x18200] =	vst v63  }
0x10c: {  	s13 =	simm.s32 @!p0 $0xDA00  }
0x10d: {  	[tilespmem:s13], [sflag:$0x2] =	stream.indirect_vreg.gather @!p0 [hbm4b:s7+s9], $0x80, v4, vm1, $0xb8;
	[tilespmem:$0x18200] =	vst v63  }
0x10e: {  	s13 =	simm.s32 @!p0 $0xE200  }
0x10f: {  	[tilespmem:s13], [sflag:$0x2] =	stream.indirect_vreg.gather @!p0 [hbm4b:s1+s9], $0x80, v3, vm1, $0xb8;
	[tilespmem:$0x18200] =	vst v63  }
0x110: {  	s13 =	simm.s32 @!p0 $0xEA00  }
0x111: {  	[tilespmem:s13], [sflag:$0x2] =	stream.indirect_vreg.gather @!p0 [hbm4b:s5+s9], $0x80, v3, vm1, $0xb8;
	[tilespmem:$0x18200] =	vst v63  }
0x112: {  	s13 =	simm.s32 @!p0 $0xF200  }
0x113: {  	[tilespmem:s13], [sflag:$0x2] =	stream.indirect_vreg.gather @!p0 [hbm4b:s6+s9], $0x80, v3, vm1, $0xb8;
	[tilespmem:$0x18200] =	vst v63  }
0x114: {  	s13 =	simm.s32 @!p0 $0xFA00  }
0x115: {  	[tilespmem:s13], [sflag:$0x2] =	stream.indirect_vreg.gather @!p0 [hbm4b:s7+s9], $0x80, v3, vm1, $0xb8;
	[tilespmem:$0x18200] =	vst v63  }
0x116: {  	_ =	swait.ge [sflag:s4], $0x8000  }
0x117: {  	s13 =	rddreg [dreg:$0x6]  }
0x118: {  	s9 =	sadd.s32 s8, s13;
	s8 =	sadd.s32 $0x3000, s8  }
0x119: {  	p0 =	sne.s32 s8, $0xF000  }
.Ltmp0:
0x11a: {  	_ = 	snop;
	(pc) =	sbr.rel @p0 .LBB2_2-.Ltmp0, $4  }
0x11b: {  	_ = 	snop  }
0x11c: {  	[sflag:s4] =	ssyncset.done $0x0  }
0x11d: {  	s12 =	sadd.s32 $0x60, s12;
	[sflag:s4] =	ssyncadd.s32 $0xFFFF8000  }
0x11e: {  	[hbm4b:s9+s3] =	stream.linear.scatter [tilespmem:s30], [sflag:$0x6], $0x8000, $0x38;
	[tilespmem:$0x18200] =	vst v63  }
0x11f: {  	_ =	swait.ge [sflag:s31], $0x8000  }
0x120: {  	[sflag:s31] =	ssyncset.done $0x0  }
0x121: {  	s25 =	simm.s32 $0x6;
	s8 =	rddreg [dreg:$0x17];
	[sflag:s31] =	ssyncadd.s32 $0xFFFF8000  }
0x122: {  	[hbm4b:s8+s3] =	stream.linear.scatter [tilespmem:s11], [sflag:$0x4], $0x8000, $0x38;
	[tilespmem:$0x18200] =	vst v63  }
0x123: {  	_ =	swait.ge [sflag:s25], $0x8000  }
0x124: {  	[sflag:s25] =	ssyncset.done $0x0  }
0x125: {  	[sflag:s25] =	ssyncadd.s32 $0xFFFF8000  }
0x126: {  	_ =	swait.ge [sflag:s0], $0x8000  }
0x127: {  	s12 =	simm.s32 $0xA00;
	s9 =	rddreg [dreg:$0x19]  }
0x128: {  	s13 =	simm.s32 $0x1200;
	s26 =	rddreg [dreg:$0x18];
	s9 =	sadd.s32 $0x1, s9  }
0x129: {  	s14 =	simm.s32 $0x1A00;
	s15 =	simm.s32 $0x2200;
	p0 =	sne.s32 s9, s26  }
.Ltmp1:
0x12a: {  	s16 =	simm.s32 $0x2A00;
	s17 =	simm.s32 $0x3200;
	(pc) =	sbr.rel @p0 .LBB2_1-.Ltmp1, $4  }
0x12b: {  	s18 =	simm.s32 $0x3A00;
	s19 =	simm.s32 $0x4200;
	s20 =	simm.s32 $0x4A00  }
0x12c: {  	s21 =	simm.s32 $0x5200;
	s22 =	simm.s32 $0x5A00;
	s23 =	simm.s32 $0x6200  }
0x12d: {  	s24 =	simm.s32 $0x6A00;
	s28 =	simm.s32 $0x8200;
	[sflag:s0] =	ssyncset.done $0x0  }
0x12e: {  	s25 =	simm.s32 $0x7200;
	[sflag:s0] =	ssyncadd.s32 $0xFFFF8000;
	s26 =	simm.s32 $0x7A00  }
0x12f: {  	_ =	sfence.sel $0x180000  }
0x130: {  	[bflag:$0x0] =	sbarrier.arrive $0xFFFF  }
0x131: {  	_ =	strace $0x90000047  }
0x132: {  	s0 =	stileid.u32;
	[bflag:$0x2] =	sbarrier.arrive $0xFFFF  }
0x133: {  	p0 =	sne.s32 s0, $0x0;
	s0 =	rddreg [dreg:$0x3]  }
0x134: {  	s0 =	sadd.s32 @!p0 $0x100000, s0  }
0x135: {  	[sflag:s0] =	ssyncadd.tile.s32 @!p0 $0x1;
	_ =	shalt  }
.Lfunc_end2:
_tile_overlayer_lowered:
.L_overlay_start_2:
0x136: {  	(tag) =	ssettag $0x2  }
0x137: {  	s0 =	rddreg [dreg:$0x0];
	s2 =	stileid.u32  }
0x138: {  	s1 =	rddreg [dreg:$0x1];
	p0 =	sne.s32 s2, $0x0  }
0x139: {  	s3 =	rddreg [dreg:$0x2];
	[bflag:$0x3] =	sbarrier.arrive $0xFFFF;
	s2 =	simm.s32 @!p0 $0x1C07  }
0x13a: {  	[timem:s3], [sflag:s2] =	dma.local @!p0 [hbm:s0], s1  }
0x13b: {  	s0 =	simm.s32 @!p0 $0x7  }
0x13c: {  	_ =	swait.ge @!p0 [sflag:s0], s1  }
0x13d: {  	s1 =	ssub.s32 @!p0 $0x0, s1;
	[sflag:s0] =	ssyncset.done @!p0 $0x0  }
0x13e: {  	[sflag:s0] =	ssyncadd.s32 @!p0 s1  }
0x13f: {  	[bflag:$0x3] =	sbarrier.arrive $0xFFFF  }
0x140: {  	_ =	shalt  }

</sc_bundles>
